<compile_context>
chip_gen: v7x
topology: tpu7x:2x2x1
jax: 0.10.2.dev20260603
libtpu: 0.0.44.dev20260713+nightly
codegen_flags: <defaults>
</compile_context>

<pallas_src>
import functools

import jax
import jax.numpy as jnp
from jax import lax
from jax.experimental import pallas as pl
from jax.experimental.pallas import tpu as pltpu
from jax.experimental.pallas import tpu_sc as plsc

B = 4096
L = 200
EMBED = 32

IDX_W = 128
CHUNK = 256
GPC = CHUNK // IDX_W
NCHUNK = B // CHUNK
TILES_PER_TI = B // IDX_W
OUT_ROWS = L * EMBED * B // 128


def _make_lookup():
    info = plsc.get_sparse_core_info()
    nw = info.num_cores * info.num_subcores
    base_slabs = L // nw
    extra = L - base_slabs * nw

    mesh = plsc.VectorSubcoreMesh(core_axis_name="c", subcore_axis_name="s")

    @functools.partial(
        pl.kernel,
        out_type=jax.ShapeDtypeStruct((OUT_ROWS, 128), jnp.float32),
        mesh=mesh,
        scratch_types=[
            pltpu.VMEM((EMBED, IDX_W), jnp.int32),
            pltpu.VMEM((3 * CHUNK, 128), jnp.float32),
            pltpu.VMEM((2 * GPC * EMBED, 129), jnp.float32),
            pltpu.SemaphoreType.DMA,
            pltpu.SemaphoreType.DMA,
        ],
        compiler_params=pltpu.CompilerParams(
            use_tc_tiling_on_sc=False, needs_layout_passes=False
        ),
    )
    def lookup(idx_hbm, table_hbm, out_hbm, idx_v, gbuf, obuf, gsem, osem):
        wid = lax.axis_index("s") * info.num_cores + lax.axis_index("c")
        l0 = base_slabs * wid + jnp.minimum(wid, extra)
        nl = base_slabs + jnp.where(wid < extra, 1, 0)
        lanes = lax.iota(jnp.int32, 16)
        row_pat = (lanes // 8) * EMBED + lanes % 8

        def fire_chunk(c):
            base = (c % 3) * CHUNK
            for j in range(GPC):
                pltpu.async_copy(
                    table_hbm.at[idx_v.at[c * GPC + j]],
                    gbuf.at[pl.ds(base + j * IDX_W, IDX_W)],
                    gsem,
                )

        def drain_gathers():
            pltpu.make_async_copy(
                table_hbm.at[pl.ds(0, CHUNK)], gbuf.at[pl.ds(0, CHUNK)], gsem
            ).wait()

        def drain_writes():
            pltpu.make_async_copy(
                out_hbm.at[pl.ds(0, GPC * EMBED)],
                obuf.at[pl.ds(0, GPC * EMBED), pl.ds(0, 128)],
                osem,
            ).wait()

        @pl.loop(l0, l0 + nl)
        def _slab(l):
            pltpu.sync_copy(idx_hbm.at[pl.ds(l * EMBED, EMBED)], idx_v)
            fire_chunk(0)
            fire_chunk(1)

            @pl.loop(0, NCHUNK)
            def _chunk(c):
                drain_gathers()

                @pl.when(c < NCHUNK - 2)
                def _():
                    fire_chunk(c + 2)

                @pl.when(c > 1)
                def _():
                    drain_writes()

                gbase = (c % 3) * CHUNK
                obase = (c % 2) * (GPC * EMBED)

                @plsc.parallel_loop(0, CHUNK // 16, unroll=2)
                def _rowblk(rb):
                    tbp = rb // 8
                    lane0 = (rb % 8) * 16
                    rows_lo = obase + tbp * EMBED + lanes
                    rows_hi = rows_lo + 16
                    vals = [
                        gbuf[gbase + rb * 16 + k, pl.ds(h * 16, 16)]
                        for k in range(16)
                        for h in range(2)
                    ]
                    for k in range(16):
                        lane_v = jnp.full((16,), lane0 + k, jnp.int32)
                        plsc.store_scatter(obuf, [rows_lo, lane_v],
                                           vals[2 * k])
                        plsc.store_scatter(obuf, [rows_hi, lane_v],
                                           vals[2 * k + 1])

                for ti in range(4):
                    for tbp in range(GPC):
                        pltpu.async_copy(
                            obuf.at[pl.ds(obase + tbp * EMBED + ti * 8, 8),
                                    pl.ds(0, 128)],
                            out_hbm.at[pl.ds(
                                ((l * 4 + ti) * TILES_PER_TI + c * GPC + tbp)
                                * 8, 8)],
                            osem,
                        )

            drain_writes()
            drain_writes()

    return lookup


def kernel(inputs, table):
    idx_t = inputs.T.reshape(L * EMBED, IDX_W).astype(jnp.int32)
    table_p = jnp.pad(table, ((0, 0), (0, 96)))
    out_lin = _make_lookup()(idx_t, table_p)
    return (
        out_lin.reshape(L, 4, TILES_PER_TI, 8, IDX_W)
        .transpose(2, 4, 0, 1, 3)
        .reshape(B, L, EMBED)
    )

# --- scband reference (transcript-rebuilt; emitter-appended) ---
"""Pipeline reference for scband-model-embeddings-64802466562436 (READ-ONLY COPY).

The authoritative reference and input builder live on the scoring server;
editing this copy changes nothing except your own understanding.
"""

import jax, jax.numpy as jnp
import numpy as np

VOCAB = 1000000
EMBED = 32
B = 4096
L = 200
PAD_ID = 0


def setup_inputs(seed: int = 0) -> dict:
    key = jax.random.key(seed)
    k_idx, k_tab = jax.random.split(key)
    indices = jax.random.randint(k_idx, (B, L), 0, VOCAB, dtype=jnp.int64 if jax.config.read('jax_enable_x64') else jnp.int32)
    table = jax.random.normal(k_tab, (VOCAB, EMBED), dtype=jnp.float32) * 0.02
    return {"inputs": indices, "table": table}


def reference(inputs, table):
    # ModelEmbeddings.forward: self.embedding(inputs)
    # nn.Embedding forward is a pure row-gather from the weight table.
    # (padding_idx only affects the gradient, not the forward lookup,
    #  since the weight was overwritten with pretrained embeddings.)
    return jnp.take(table, inputs, axis=0)

if __name__ == "__main__":
    import jax
    _d = setup_inputs()
    print(jax.jit(kernel)(*tuple(_d.values())))

</pallas_src>

<mosaic_0001>
#map = affine_map<(d0, d1) -> (0, 0)>
module attributes {stable_mosaic.version = 14 : i64} {
  func.func @lookup(%arg0: i32, %arg1: i32, %arg2: memref<6400x128xi32, #tpu.memory_space<hbm>>, %arg3: memref<1000000x128xf32, #tpu.memory_space<hbm>>, %arg4: memref<204800x128xf32, #tpu.memory_space<hbm>>, %arg5: memref<32x128xi32, #tpu.memory_space<vmem>>, %arg6: memref<768x128xf32, #tpu.memory_space<vmem>>, %arg7: memref<128x129xf32, #tpu.memory_space<vmem>>, %arg8: memref<!tpu.dma_semaphore, #tpu.memory_space<semaphore_mem>>, %arg9: memref<!tpu.dma_semaphore, #tpu.memory_space<semaphore_mem>>) attributes {dimension_semantics = [#tpu.dimension_semantics<core_parallel>, #tpu.dimension_semantics<subcore_parallel>], iteration_bounds = array<i64: 2, 16>, scalar_prefetch = 0 : i64, scratch_operands = 5 : i64, tpu.core_type = #tpu.core_type<sc_vector_subcore>, window_params = [{transform_indices = #map}, {transform_indices = #map}, {transform_indices = #map}]} {
    %mul3A = arith.constant 2 : i32
    %mul3A_0 = arith.muli %arg1, %mul3A : i32
    %add3A = arith.addi %mul3A_0, %arg0 : i32
    %mul3A_1 = arith.constant 6 : i32
    %mul3A_2 = arith.muli %mul3A_1, %add3A : i32
    %min3A = arith.constant 8 : i32
    %min3A_3 = arith.minsi %add3A, %min3A : i32
    %add3A_4 = arith.addi %mul3A_2, %min3A_3 : i32
    %lt3A = arith.constant 8 : i32
    %lt3A_5 = arith.cmpi slt, %add3A, %lt3A : i32
    %jit3A = arith.constant 1 : i32
    %jit3A_6 = arith.constant 0 : i32
    %select_n3A = arith.select %lt3A_5, %jit3A, %jit3A_6 : i32
    %add3A_7 = arith.constant 6 : i32
    %add3A_8 = arith.addi %add3A_7, %select_n3A : i32
    %iota3A = tpu.iota {dimensions = array<i32: 0>} : vector<16xi32>
    %jit3A_9 = arith.constant 8 : i32
    %div3A = vector.broadcast %jit3A_9 : i32 to vector<16xi32>
    %div3A_10 = arith.divsi %iota3A, %div3A : vector<16xi32>
    %sign3A = arith.constant 0 : i32
    %sign3A_11 = vector.broadcast %sign3A : i32 to vector<16xi32>
    %sign3A_12 = arith.cmpi sgt, %iota3A, %sign3A_11 : vector<16xi32>
    %sign3A_13 = arith.extui %sign3A_12 : vector<16xi1> to vector<16xi32>
    %sign3A_14 = arith.constant 0 : i32
    %sign3A_15 = vector.broadcast %sign3A_14 : i32 to vector<16xi32>
    %sign3A_16 = arith.cmpi slt, %iota3A, %sign3A_15 : vector<16xi32>
    %sign3A_17 = arith.extui %sign3A_16 : vector<16xi1> to vector<16xi32>
    %sign3A_18 = arith.subi %sign3A_13, %sign3A_17 : vector<16xi32>
    %sign3A_19 = arith.constant 0 : i32
    %sign3A_20 = arith.cmpi sgt, %jit3A_9, %sign3A_19 : i32
    %sign3A_21 = arith.extui %sign3A_20 : i1 to i32
    %sign3A_22 = arith.constant 0 : i32
    %sign3A_23 = arith.cmpi slt, %jit3A_9, %sign3A_22 : i32
    %sign3A_24 = arith.extui %sign3A_23 : i1 to i32
    %sign3A_25 = arith.subi %sign3A_21, %sign3A_24 : i32
    %ne3A = vector.broadcast %sign3A_25 : i32 to vector<16xi32>
    %ne3A_26 = arith.cmpi ne, %sign3A_18, %ne3A : vector<16xi32>
    %rem3A = vector.broadcast %jit3A_9 : i32 to vector<16xi32>
    %rem3A_27 = arith.remsi %iota3A, %rem3A : vector<16xi32>
    %ne3A_28 = arith.constant 0 : i32
    %ne3A_29 = vector.broadcast %ne3A_28 : i32 to vector<16xi32>
    %ne3A_30 = arith.cmpi ne, %rem3A_27, %ne3A_29 : vector<16xi32>
    %and3A = arith.andi %ne3A_26, %ne3A_30 : vector<16xi1>
    %sub3A = arith.constant 1 : i32
    %sub3A_31 = vector.broadcast %sub3A : i32 to vector<16xi32>
    %sub3A_32 = arith.subi %div3A_10, %sub3A_31 : vector<16xi32>
    %select_n3A_33 = arith.select %and3A, %sub3A_32, %div3A_10 : vector<16xi1>, vector<16xi32>
    %mul3A_34 = arith.constant 32 : i32
    %mul3A_35 = vector.broadcast %mul3A_34 : i32 to vector<16xi32>
    %mul3A_36 = arith.muli %select_n3A_33, %mul3A_35 : vector<16xi32>
    %jit3A_37 = arith.constant 8 : i32
    %eq3A = arith.constant 0 : i32
    %eq3A_38 = arith.cmpi eq, %jit3A_37, %eq3A : i32
    %jit3A_39 = arith.constant 1 : i32
    %select_n3A_40 = arith.select %eq3A_38, %jit3A_39, %jit3A_37 : i32
    %rem3A_41 = vector.broadcast %select_n3A_40 : i32 to vector<16xi32>
    %rem3A_42 = arith.remsi %iota3A, %rem3A_41 : vector<16xi32>
    %ne3A_43 = arith.constant 0 : i32
    %ne3A_44 = vector.broadcast %ne3A_43 : i32 to vector<16xi32>
    %ne3A_45 = arith.cmpi ne, %rem3A_42, %ne3A_44 : vector<16xi32>
    %lt3A_46 = arith.constant 0 : i32
    %lt3A_47 = vector.broadcast %lt3A_46 : i32 to vector<16xi32>
    %lt3A_48 = arith.cmpi slt, %rem3A_42, %lt3A_47 : vector<16xi32>
    %lt3A_49 = arith.constant 0 : i32
    %lt3A_50 = arith.cmpi slt, %select_n3A_40, %lt3A_49 : i32
    %ne3A_51 = vector.broadcast %lt3A_50 : i1 to vector<16xi1>
    %ne3A_52 = vector.broadcast %ne3A_51 : vector<16xi1> to vector<16xi1>
    %ne3A_53 = arith.xori %lt3A_48, %ne3A_52 : vector<16xi1>
    %and3A_54 = arith.andi %ne3A_53, %ne3A_45 : vector<16xi1>
    %add3A_55 = vector.broadcast %select_n3A_40 : i32 to vector<16xi32>
    %add3A_56 = arith.addi %rem3A_42, %add3A_55 : vector<16xi32>
    %select_n3A_57 = arith.select %and3A_54, %add3A_56, %rem3A_42 : vector<16xi1>, vector<16xi32>
    %add3A_58 = arith.addi %mul3A_36, %select_n3A_57 : vector<16xi32>
    %add3A_59 = arith.addi %add3A_4, %add3A_8 : i32
    %sub3A_60 = arith.subi %add3A_59, %add3A_4 : i32
    %sub3A_61 = arith.constant 1 : i32
    %sub3A_62 = arith.constant 1 : i32
    %sub3A_63 = arith.subi %sub3A_61, %sub3A_62 : i32
    %add3A_64 = arith.addi %sub3A_60, %sub3A_63 : i32
    %div3A_65 = arith.constant 1 : i32
    %div3A_66 = arith.divsi %add3A_64, %div3A_65 : i32
    %while3A = arith.constant 1 : i32
    %while3A_67 = arith.constant 0 : i32
    %while3A_68 = arith.subi %div3A_66, %while3A_67 : i32
    %while3A_69 = arith.addi %while3A_67, %while3A_68 : i32
    %while3A_70 = arith.constant 1 : i32
    %while3A_71 = arith.divsi %while3A_68, %while3A_70 : i32
    %while3A_72 = arith.muli %while3A_71, %while3A_70 : i32
    %while3A_73 = arith.addi %while3A_67, %while3A_72 : i32
    %while3A_74 = arith.constant 1 : i32
    scf.for %while3A_76 = %while3A_67 to %while3A_73 step %while3A_74  : i32 {
      %mul3A_77 = arith.muli %while3A_76, %while3A : i32
      %add3A_78 = arith.addi %add3A_4, %mul3A_77 : i32
      %mul3A_79 = arith.constant 32 : i32
      %mul3A_80 = arith.muli %add3A_78, %mul3A_79 : i32
      "tpu.region"() ({
        %run_scoped3A = tpu.sem_alloc : memref<!tpu.dma_semaphore, #tpu.memory_space<semaphore_mem>>
        %dma_start3A_147 = arith.constant 0 : i32
        %dma_start3A_148 = tpu.memref_slice %arg2[%mul3A_80, %dma_start3A_147] : memref<6400x128xi32, #tpu.memory_space<hbm>> -> memref<32x128xi32, #tpu.memory_space<hbm>>
        %dma_start3A_149 = arith.constant 0 : i32
        %dma_start3A_150 = tpu.memref_slice %arg2[%mul3A_80, %dma_start3A_149] : memref<6400x128xi32, #tpu.memory_space<hbm>> -> memref<32x128xi32, #tpu.memory_space<hbm>>
        tpu.enqueue_dma source(%dma_start3A_150 : memref<32x128xi32, #tpu.memory_space<hbm>>) target(%arg5 : memref<32x128xi32, #tpu.memory_space<vmem>>) target_semaphore(%run_scoped3A : memref<!tpu.dma_semaphore, #tpu.memory_space<semaphore_mem>>)
        %dma_wait3A_151 = arith.constant 0 : i32
        %dma_wait3A_152 = tpu.memref_slice %arg2[%mul3A_80, %dma_wait3A_151] : memref<6400x128xi32, #tpu.memory_space<hbm>> -> memref<32x128xi32, #tpu.memory_space<hbm>>
        %dma_wait3A_153 = arith.constant 0 : i32
        %dma_wait3A_154 = tpu.memref_slice %arg2[%mul3A_80, %dma_wait3A_153] : memref<6400x128xi32, #tpu.memory_space<hbm>> -> memref<32x128xi32, #tpu.memory_space<hbm>>
        tpu.wait_dma2 semaphore(%run_scoped3A : memref<!tpu.dma_semaphore, #tpu.memory_space<semaphore_mem>>) src(%dma_wait3A_154 : memref<32x128xi32, #tpu.memory_space<hbm>>) dst(%arg5 : memref<32x128xi32, #tpu.memory_space<vmem>>)
        tpu.yield
      }) : () -> ()
      %dma_start3A = arith.constant 0 : i32
      %dma_start3A_81 = arith.constant 0 : i32
      %dma_start3A_82 = arith.constant 0 : i32
      %dma_start3A_83 = tpu.memref_slice %arg6[%dma_start3A_81, %dma_start3A_82] : memref<768x128xf32, #tpu.memory_space<vmem>> -> memref<128x128xf32, #tpu.memory_space<vmem>>
      %dma_start3A_84 = arith.constant 0 : i32
      %dma_start3A_85 = tpu.memref_slice %arg5[%dma_start3A, %dma_start3A_84] : memref<32x128xi32, #tpu.memory_space<vmem>> -> memref<1x128xi32, #tpu.memory_space<vmem>>
      %dma_start3A_86 = tpu.memref_squeeze %dma_start3A_85 : memref<1x128xi32, #tpu.memory_space<vmem>> -> memref<128xi32, #tpu.memory_space<vmem>>
      %dma_start3A_87 = arith.constant 0 : i32
      %dma_start3A_88 = arith.constant 0 : i32
      %dma_start3A_89 = tpu.memref_slice %arg3[%dma_start3A_87, %dma_start3A_88] : memref<1000000x128xf32, #tpu.memory_space<hbm>> -> memref<1000000x128xf32, #tpu.memory_space<hbm>>
      tpu.enqueue_indirect_dma source(%dma_start3A_89 : memref<1000000x128xf32, #tpu.memory_space<hbm>>) target(%dma_start3A_83 : memref<128x128xf32, #tpu.memory_space<vmem>>) offsets(%dma_start3A_86 : memref<128xi32, #tpu.memory_space<vmem>>) semaphore(%arg8 : memref<!tpu.dma_semaphore, #tpu.memory_space<semaphore_mem>>)
      %dma_start3A_90 = arith.constant 1 : i32
      %dma_start3A_91 = arith.constant 128 : i32
      %dma_start3A_92 = arith.constant 0 : i32
      %dma_start3A_93 = tpu.memref_slice %arg6[%dma_start3A_91, %dma_start3A_92] : memref<768x128xf32, #tpu.memory_space<vmem>> -> memref<128x128xf32, #tpu.memory_space<vmem>>
      %dma_start3A_94 = arith.constant 0 : i32
      %dma_start3A_95 = tpu.memref_slice %arg5[%dma_start3A_90, %dma_start3A_94] : memref<32x128xi32, #tpu.memory_space<vmem>> -> memref<1x128xi32, #tpu.memory_space<vmem>>
      %dma_start3A_96 = tpu.memref_squeeze %dma_start3A_95 : memref<1x128xi32, #tpu.memory_space<vmem>> -> memref<128xi32, #tpu.memory_space<vmem>>
      %dma_start3A_97 = arith.constant 0 : i32
      %dma_start3A_98 = arith.constant 0 : i32
      %dma_start3A_99 = tpu.memref_slice %arg3[%dma_start3A_97, %dma_start3A_98] : memref<1000000x128xf32, #tpu.memory_space<hbm>> -> memref<1000000x128xf32, #tpu.memory_space<hbm>>
      tpu.enqueue_indirect_dma source(%dma_start3A_99 : memref<1000000x128xf32, #tpu.memory_space<hbm>>) target(%dma_start3A_93 : memref<128x128xf32, #tpu.memory_space<vmem>>) offsets(%dma_start3A_96 : memref<128xi32, #tpu.memory_space<vmem>>) semaphore(%arg8 : memref<!tpu.dma_semaphore, #tpu.memory_space<semaphore_mem>>)
      %dma_start3A_100 = arith.constant 2 : i32
      %dma_start3A_101 = arith.constant 256 : i32
      %dma_start3A_102 = arith.constant 0 : i32
      %dma_start3A_103 = tpu.memref_slice %arg6[%dma_start3A_101, %dma_start3A_102] : memref<768x128xf32, #tpu.memory_space<vmem>> -> memref<128x128xf32, #tpu.memory_space<vmem>>
      %dma_start3A_104 = arith.constant 0 : i32
      %dma_start3A_105 = tpu.memref_slice %arg5[%dma_start3A_100, %dma_start3A_104] : memref<32x128xi32, #tpu.memory_space<vmem>> -> memref<1x128xi32, #tpu.memory_space<vmem>>
      %dma_start3A_106 = tpu.memref_squeeze %dma_start3A_105 : memref<1x128xi32, #tpu.memory_space<vmem>> -> memref<128xi32, #tpu.memory_space<vmem>>
      %dma_start3A_107 = arith.constant 0 : i32
      %dma_start3A_108 = arith.constant 0 : i32
      %dma_start3A_109 = tpu.memref_slice %arg3[%dma_start3A_107, %dma_start3A_108] : memref<1000000x128xf32, #tpu.memory_space<hbm>> -> memref<1000000x128xf32, #tpu.memory_space<hbm>>
      tpu.enqueue_indirect_dma source(%dma_start3A_109 : memref<1000000x128xf32, #tpu.memory_space<hbm>>) target(%dma_start3A_103 : memref<128x128xf32, #tpu.memory_space<vmem>>) offsets(%dma_start3A_106 : memref<128xi32, #tpu.memory_space<vmem>>) semaphore(%arg8 : memref<!tpu.dma_semaphore, #tpu.memory_space<semaphore_mem>>)
      %dma_start3A_110 = arith.constant 3 : i32
      %dma_start3A_111 = arith.constant 384 : i32
      %dma_start3A_112 = arith.constant 0 : i32
      %dma_start3A_113 = tpu.memref_slice %arg6[%dma_start3A_111, %dma_start3A_112] : memref<768x128xf32, #tpu.memory_space<vmem>> -> memref<128x128xf32, #tpu.memory_space<vmem>>
      %dma_start3A_114 = arith.constant 0 : i32
      %dma_start3A_115 = tpu.memref_slice %arg5[%dma_start3A_110, %dma_start3A_114] : memref<32x128xi32, #tpu.memory_space<vmem>> -> memref<1x128xi32, #tpu.memory_space<vmem>>
      %dma_start3A_116 = tpu.memref_squeeze %dma_start3A_115 : memref<1x128xi32, #tpu.memory_space<vmem>> -> memref<128xi32, #tpu.memory_space<vmem>>
      %dma_start3A_117 = arith.constant 0 : i32
      %dma_start3A_118 = arith.constant 0 : i32
      %dma_start3A_119 = tpu.memref_slice %arg3[%dma_start3A_117, %dma_start3A_118] : memref<1000000x128xf32, #tpu.memory_space<hbm>> -> memref<1000000x128xf32, #tpu.memory_space<hbm>>
      tpu.enqueue_indirect_dma source(%dma_start3A_119 : memref<1000000x128xf32, #tpu.memory_space<hbm>>) target(%dma_start3A_113 : memref<128x128xf32, #tpu.memory_space<vmem>>) offsets(%dma_start3A_116 : memref<128xi32, #tpu.memory_space<vmem>>) semaphore(%arg8 : memref<!tpu.dma_semaphore, #tpu.memory_space<semaphore_mem>>)
      %scan3A = arith.constant 0 : i32
      %scan3A_120 = arith.constant 16 : i32
      %scan3A_121 = arith.addi %scan3A, %scan3A_120 : i32
      %scan3A_122 = arith.constant 1 : i32
      scf.for %scan3A_147 = %scan3A to %scan3A_121 step %scan3A_122  : i32 {
        %mul3A_148 = arith.constant 1 : i32
        %mul3A_149 = arith.muli %scan3A_147, %mul3A_148 : i32
        %add3A_150 = arith.constant 0 : i32
        %add3A_151 = arith.addi %add3A_150, %mul3A_149 : i32
        %dma_wait3A_152 = arith.constant 0 : i32
        %dma_wait3A_153 = arith.constant 0 : i32
        %dma_wait3A_154 = tpu.memref_slice %arg6[%dma_wait3A_152, %dma_wait3A_153] : memref<768x128xf32, #tpu.memory_space<vmem>> -> memref<256x128xf32, #tpu.memory_space<vmem>>
        %dma_wait3A_155 = arith.constant 0 : i32
        %dma_wait3A_156 = arith.constant 0 : i32
        %dma_wait3A_157 = tpu.memref_slice %arg3[%dma_wait3A_155, %dma_wait3A_156] : memref<1000000x128xf32, #tpu.memory_space<hbm>> -> memref<256x128xf32, #tpu.memory_space<hbm>>
        %dma_wait3A_158 = arith.constant 0 : i32
        %dma_wait3A_159 = arith.constant 0 : i32
        %dma_wait3A_160 = tpu.memref_slice %arg6[%dma_wait3A_158, %dma_wait3A_159] : memref<768x128xf32, #tpu.memory_space<vmem>> -> memref<256x128xf32, #tpu.memory_space<vmem>>
        %dma_wait3A_161 = arith.constant 0 : i32
        %dma_wait3A_162 = arith.constant 0 : i32
        %dma_wait3A_163 = tpu.memref_slice %arg3[%dma_wait3A_161, %dma_wait3A_162] : memref<1000000x128xf32, #tpu.memory_space<hbm>> -> memref<256x128xf32, #tpu.memory_space<hbm>>
        tpu.wait_dma2 semaphore(%arg8 : memref<!tpu.dma_semaphore, #tpu.memory_space<semaphore_mem>>) src(%dma_wait3A_163 : memref<256x128xf32, #tpu.memory_space<hbm>>) dst(%dma_wait3A_160 : memref<256x128xf32, #tpu.memory_space<vmem>>)
        %lt3A_164 = arith.constant 14 : i32
        %lt3A_165 = arith.cmpi slt, %add3A_151, %lt3A_164 : i32
        %convert_element_type3A = arith.extui %lt3A_165 : i1 to i32
        %cond3A = arith.constant 0 : i32
        %cond3A_166 = arith.cmpi ne, %convert_element_type3A, %cond3A : i32
        scf.if %cond3A_166 {
          %add3A_409 = arith.constant 2 : i32
          %add3A_410 = arith.addi %add3A_151, %add3A_409 : i32
          %jit3A_411 = arith.constant 3 : i32
          %eq3A_412 = arith.constant 0 : i32
          %eq3A_413 = arith.cmpi eq, %jit3A_411, %eq3A_412 : i32
          %jit3A_414 = arith.constant 1 : i32
          %select_n3A_415 = arith.select %eq3A_413, %jit3A_414, %jit3A_411 : i32
          %rem3A_416 = arith.remsi %add3A_410, %select_n3A_415 : i32
          %ne3A_417 = arith.constant 0 : i32
          %ne3A_418 = arith.cmpi ne, %rem3A_416, %ne3A_417 : i32
          %lt3A_419 = arith.constant 0 : i32
          %lt3A_420 = arith.cmpi slt, %rem3A_416, %lt3A_419 : i32
          %lt3A_421 = arith.constant 0 : i32
          %lt3A_422 = arith.cmpi slt, %select_n3A_415, %lt3A_421 : i32
          %ne3A_423 = arith.xori %lt3A_420, %lt3A_422 : i1
          %and3A_424 = arith.andi %ne3A_423, %ne3A_418 : i1
          %add3A_425 = arith.addi %rem3A_416, %select_n3A_415 : i32
          %select_n3A_426 = arith.select %and3A_424, %add3A_425, %rem3A_416 : i32
          %mul3A_427 = arith.constant 256 : i32
          %mul3A_428 = arith.muli %select_n3A_426, %mul3A_427 : i32
          %mul3A_429 = arith.constant 2 : i32
          %mul3A_430 = arith.muli %add3A_410, %mul3A_429 : i32
          %add3A_431 = arith.constant 0 : i32
          %add3A_432 = arith.addi %mul3A_430, %add3A_431 : i32
          %add3A_433 = arith.constant 0 : i32
          %add3A_434 = arith.addi %mul3A_428, %add3A_433 : i32
          %dma_start3A_435 = arith.constant 0 : i32
          %dma_start3A_436 = tpu.memref_slice %arg6[%add3A_434, %dma_start3A_435] : memref<768x128xf32, #tpu.memory_space<vmem>> -> memref<128x128xf32, #tpu.memory_space<vmem>>
          %dma_start3A_437 = arith.constant 0 : i32
          %dma_start3A_438 = tpu.memref_slice %arg5[%add3A_432, %dma_start3A_437] : memref<32x128xi32, #tpu.memory_space<vmem>> -> memref<1x128xi32, #tpu.memory_space<vmem>>
          %dma_start3A_439 = tpu.memref_squeeze %dma_start3A_438 : memref<1x128xi32, #tpu.memory_space<vmem>> -> memref<128xi32, #tpu.memory_space<vmem>>
          %dma_start3A_440 = arith.constant 0 : i32
          %dma_start3A_441 = arith.constant 0 : i32
          %dma_start3A_442 = tpu.memref_slice %arg3[%dma_start3A_440, %dma_start3A_441] : memref<1000000x128xf32, #tpu.memory_space<hbm>> -> memref<1000000x128xf32, #tpu.memory_space<hbm>>
          tpu.enqueue_indirect_dma source(%dma_start3A_442 : memref<1000000x128xf32, #tpu.memory_space<hbm>>) target(%dma_start3A_436 : memref<128x128xf32, #tpu.memory_space<vmem>>) offsets(%dma_start3A_439 : memref<128xi32, #tpu.memory_space<vmem>>) semaphore(%arg8 : memref<!tpu.dma_semaphore, #tpu.memory_space<semaphore_mem>>)
          %mul3A_443 = arith.constant 2 : i32
          %mul3A_444 = arith.muli %add3A_410, %mul3A_443 : i32
          %add3A_445 = arith.constant 1 : i32
          %add3A_446 = arith.addi %mul3A_444, %add3A_445 : i32
          %add3A_447 = arith.constant 128 : i32
          %add3A_448 = arith.addi %mul3A_428, %add3A_447 : i32
          %dma_start3A_449 = arith.constant 0 : i32
          %dma_start3A_450 = tpu.memref_slice %arg6[%add3A_448, %dma_start3A_449] : memref<768x128xf32, #tpu.memory_space<vmem>> -> memref<128x128xf32, #tpu.memory_space<vmem>>
          %dma_start3A_451 = arith.constant 0 : i32
          %dma_start3A_452 = tpu.memref_slice %arg5[%add3A_446, %dma_start3A_451] : memref<32x128xi32, #tpu.memory_space<vmem>> -> memref<1x128xi32, #tpu.memory_space<vmem>>
          %dma_start3A_453 = tpu.memref_squeeze %dma_start3A_452 : memref<1x128xi32, #tpu.memory_space<vmem>> -> memref<128xi32, #tpu.memory_space<vmem>>
          %dma_start3A_454 = arith.constant 0 : i32
          %dma_start3A_455 = arith.constant 0 : i32
          %dma_start3A_456 = tpu.memref_slice %arg3[%dma_start3A_454, %dma_start3A_455] : memref<1000000x128xf32, #tpu.memory_space<hbm>> -> memref<1000000x128xf32, #tpu.memory_space<hbm>>
          tpu.enqueue_indirect_dma source(%dma_start3A_456 : memref<1000000x128xf32, #tpu.memory_space<hbm>>) target(%dma_start3A_450 : memref<128x128xf32, #tpu.memory_space<vmem>>) offsets(%dma_start3A_453 : memref<128xi32, #tpu.memory_space<vmem>>) semaphore(%arg8 : memref<!tpu.dma_semaphore, #tpu.memory_space<semaphore_mem>>)
        } else {
        }
        %gt3A = arith.constant 1 : i32
        %gt3A_167 = arith.cmpi sgt, %add3A_151, %gt3A : i32
        %convert_element_type3A_168 = arith.extui %gt3A_167 : i1 to i32
        %cond3A_169 = arith.constant 0 : i32
        %cond3A_170 = arith.cmpi ne, %convert_element_type3A_168, %cond3A_169 : i32
        scf.if %cond3A_170 {
          %dma_wait3A_409 = arith.constant 0 : i32
          %dma_wait3A_410 = arith.constant 0 : i32
          %dma_wait3A_411 = tpu.memref_slice %arg7[%dma_wait3A_409, %dma_wait3A_410] : memref<128x129xf32, #tpu.memory_space<vmem>> -> memref<64x128xf32, #tpu.memory_space<vmem>>
          %dma_wait3A_412 = arith.constant 0 : i32
          %dma_wait3A_413 = arith.constant 0 : i32
          %dma_wait3A_414 = tpu.memref_slice %arg4[%dma_wait3A_412, %dma_wait3A_413] : memref<204800x128xf32, #tpu.memory_space<hbm>> -> memref<64x128xf32, #tpu.memory_space<hbm>>
          %dma_wait3A_415 = arith.constant 0 : i32
          %dma_wait3A_416 = arith.constant 0 : i32
          %dma_wait3A_417 = tpu.memref_slice %arg7[%dma_wait3A_415, %dma_wait3A_416] : memref<128x129xf32, #tpu.memory_space<vmem>> -> memref<64x128xf32, #tpu.memory_space<vmem>>
          %dma_wait3A_418 = arith.constant 0 : i32
          %dma_wait3A_419 = arith.constant 0 : i32
          %dma_wait3A_420 = tpu.memref_slice %arg4[%dma_wait3A_418, %dma_wait3A_419] : memref<204800x128xf32, #tpu.memory_space<hbm>> -> memref<64x128xf32, #tpu.memory_space<hbm>>
          tpu.wait_dma2 semaphore(%arg9 : memref<!tpu.dma_semaphore, #tpu.memory_space<semaphore_mem>>) src(%dma_wait3A_420 : memref<64x128xf32, #tpu.memory_space<hbm>>) dst(%dma_wait3A_417 : memref<64x128xf32, #tpu.memory_space<vmem>>)
        } else {
        }
        %jit3A_171 = arith.constant 3 : i32
        %eq3A_172 = arith.constant 0 : i32
        %eq3A_173 = arith.cmpi eq, %jit3A_171, %eq3A_172 : i32
        %jit3A_174 = arith.constant 1 : i32
        %select_n3A_175 = arith.select %eq3A_173, %jit3A_174, %jit3A_171 : i32
        %rem3A_176 = arith.remsi %add3A_151, %select_n3A_175 : i32
        %ne3A_177 = arith.constant 0 : i32
        %ne3A_178 = arith.cmpi ne, %rem3A_176, %ne3A_177 : i32
        %lt3A_179 = arith.constant 0 : i32
        %lt3A_180 = arith.cmpi slt, %rem3A_176, %lt3A_179 : i32
        %lt3A_181 = arith.constant 0 : i32
        %lt3A_182 = arith.cmpi slt, %select_n3A_175, %lt3A_181 : i32
        %ne3A_183 = arith.xori %lt3A_180, %lt3A_182 : i1
        %and3A_184 = arith.andi %ne3A_183, %ne3A_178 : i1
        %add3A_185 = arith.addi %rem3A_176, %select_n3A_175 : i32
        %select_n3A_186 = arith.select %and3A_184, %add3A_185, %rem3A_176 : i32
        %mul3A_187 = arith.constant 256 : i32
        %mul3A_188 = arith.muli %select_n3A_186, %mul3A_187 : i32
        %jit3A_189 = arith.constant 2 : i32
        %eq3A_190 = arith.constant 0 : i32
        %eq3A_191 = arith.cmpi eq, %jit3A_189, %eq3A_190 : i32
        %jit3A_192 = arith.constant 1 : i32
        %select_n3A_193 = arith.select %eq3A_191, %jit3A_192, %jit3A_189 : i32
        %rem3A_194 = arith.remsi %add3A_151, %select_n3A_193 : i32
        %ne3A_195 = arith.constant 0 : i32
        %ne3A_196 = arith.cmpi ne, %rem3A_194, %ne3A_195 : i32
        %lt3A_197 = arith.constant 0 : i32
        %lt3A_198 = arith.cmpi slt, %rem3A_194, %lt3A_197 : i32
        %lt3A_199 = arith.constant 0 : i32
        %lt3A_200 = arith.cmpi slt, %select_n3A_193, %lt3A_199 : i32
        %ne3A_201 = arith.xori %lt3A_198, %lt3A_200 : i1
        %and3A_202 = arith.andi %ne3A_201, %ne3A_196 : i1
        %add3A_203 = arith.addi %rem3A_194, %select_n3A_193 : i32
        %select_n3A_204 = arith.select %and3A_202, %add3A_203, %rem3A_194 : i32
        %mul3A_205 = arith.constant 64 : i32
        %mul3A_206 = arith.muli %select_n3A_204, %mul3A_205 : i32
        %parallel_loop3A = arith.constant 0 : i32
        %parallel_loop3A_207 = arith.constant 16 : i32
        %parallel_loop3A_208 = arith.constant 1 : i32
        scf.for %parallel_loop3A_409 = %parallel_loop3A to %parallel_loop3A_207 step %parallel_loop3A_208  : i32 {
          %parallel_loop3A_410 = arith.constant 8 : i32
          %parallel_loop3A_411 = arith.divsi %parallel_loop3A_409, %parallel_loop3A_410 : i32
          %parallel_loop3A_412 = arith.constant 0 : i32
          %parallel_loop3A_413 = arith.cmpi sgt, %parallel_loop3A_409, %parallel_loop3A_412 : i32
          %parallel_loop3A_414 = arith.extui %parallel_loop3A_413 : i1 to i32
          %parallel_loop3A_415 = arith.constant 0 : i32
          %parallel_loop3A_416 = arith.cmpi slt, %parallel_loop3A_409, %parallel_loop3A_415 : i32
          %parallel_loop3A_417 = arith.extui %parallel_loop3A_416 : i1 to i32
          %parallel_loop3A_418 = arith.subi %parallel_loop3A_414, %parallel_loop3A_417 : i32
          %parallel_loop3A_419 = arith.constant 0 : i32
          %parallel_loop3A_420 = arith.cmpi sgt, %parallel_loop3A_410, %parallel_loop3A_419 : i32
          %parallel_loop3A_421 = arith.extui %parallel_loop3A_420 : i1 to i32
          %parallel_loop3A_422 = arith.constant 0 : i32
          %parallel_loop3A_423 = arith.cmpi slt, %parallel_loop3A_410, %parallel_loop3A_422 : i32
          %parallel_loop3A_424 = arith.extui %parallel_loop3A_423 : i1 to i32
          %parallel_loop3A_425 = arith.subi %parallel_loop3A_421, %parallel_loop3A_424 : i32
          %parallel_loop3A_426 = arith.cmpi ne, %parallel_loop3A_418, %parallel_loop3A_425 : i32
          %parallel_loop3A_427 = arith.remsi %parallel_loop3A_409, %parallel_loop3A_410 : i32
          %parallel_loop3A_428 = arith.constant 0 : i32
          %parallel_loop3A_429 = arith.cmpi ne, %parallel_loop3A_427, %parallel_loop3A_428 : i32
          %parallel_loop3A_430 = arith.andi %parallel_loop3A_426, %parallel_loop3A_429 : i1
          %parallel_loop3A_431 = arith.constant 1 : i32
          %parallel_loop3A_432 = arith.subi %parallel_loop3A_411, %parallel_loop3A_431 : i32
          %parallel_loop3A_433 = arith.select %parallel_loop3A_430, %parallel_loop3A_432, %parallel_loop3A_411 : i32
          %parallel_loop3A_434 = arith.constant 8 : i32
          %parallel_loop3A_435 = arith.constant 0 : i32
          %parallel_loop3A_436 = arith.cmpi eq, %parallel_loop3A_434, %parallel_loop3A_435 : i32
          %parallel_loop3A_437 = arith.constant 1 : i32
          %parallel_loop3A_438 = arith.select %parallel_loop3A_436, %parallel_loop3A_437, %parallel_loop3A_434 : i32
          %parallel_loop3A_439 = arith.remsi %parallel_loop3A_409, %parallel_loop3A_438 : i32
          %parallel_loop3A_440 = arith.constant 0 : i32
          %parallel_loop3A_441 = arith.cmpi ne, %parallel_loop3A_439, %parallel_loop3A_440 : i32
          %parallel_loop3A_442 = arith.constant 0 : i32
          %parallel_loop3A_443 = arith.cmpi slt, %parallel_loop3A_439, %parallel_loop3A_442 : i32
          %parallel_loop3A_444 = arith.constant 0 : i32
          %parallel_loop3A_445 = arith.cmpi slt, %parallel_loop3A_438, %parallel_loop3A_444 : i32
          %parallel_loop3A_446 = arith.xori %parallel_loop3A_443, %parallel_loop3A_445 : i1
          %parallel_loop3A_447 = arith.andi %parallel_loop3A_446, %parallel_loop3A_441 : i1
          %parallel_loop3A_448 = arith.addi %parallel_loop3A_439, %parallel_loop3A_438 : i32
          %parallel_loop3A_449 = arith.select %parallel_loop3A_447, %parallel_loop3A_448, %parallel_loop3A_439 : i32
          %parallel_loop3A_450 = arith.constant 16 : i32
          %parallel_loop3A_451 = arith.muli %parallel_loop3A_449, %parallel_loop3A_450 : i32
          %parallel_loop3A_452 = arith.constant 32 : i32
          %parallel_loop3A_453 = arith.muli %parallel_loop3A_433, %parallel_loop3A_452 : i32
          %parallel_loop3A_454 = arith.addi %mul3A_206, %parallel_loop3A_453 : i32
          %parallel_loop3A_455 = vector.broadcast %parallel_loop3A_454 : i32 to vector<16xi32>
          %parallel_loop3A_456 = arith.addi %parallel_loop3A_455, %iota3A : vector<16xi32>
          %parallel_loop3A_457 = arith.constant 16 : i32
          %parallel_loop3A_458 = vector.broadcast %parallel_loop3A_457 : i32 to vector<16xi32>
          %parallel_loop3A_459 = arith.addi %parallel_loop3A_456, %parallel_loop3A_458 : vector<16xi32>
          %parallel_loop3A_460 = arith.constant 16 : i32
          %parallel_loop3A_461 = arith.muli %parallel_loop3A_409, %parallel_loop3A_460 : i32
          %parallel_loop3A_462 = arith.addi %mul3A_188, %parallel_loop3A_461 : i32
          %parallel_loop3A_463 = arith.constant 0 : i32
          %parallel_loop3A_464 = arith.addi %parallel_loop3A_462, %parallel_loop3A_463 : i32
          %parallel_loop3A_465 = arith.index_cast %parallel_loop3A_464 : i32 to index
          %parallel_loop3A_466 = arith.constant 0 : index
          %parallel_loop3A_467 = tpu.vector_load %arg6[%parallel_loop3A_465, %parallel_loop3A_466] {strides = array<i32>} : memref<768x128xf32, #tpu.memory_space<vmem>>, vector<16xf32>,
          %parallel_loop3A_468 = arith.constant 16 : i32
          %parallel_loop3A_469 = arith.muli %parallel_loop3A_409, %parallel_loop3A_468 : i32
          %parallel_loop3A_470 = arith.addi %mul3A_188, %parallel_loop3A_469 : i32
          %parallel_loop3A_471 = arith.constant 0 : i32
          %parallel_loop3A_472 = arith.addi %parallel_loop3A_470, %parallel_loop3A_471 : i32
          %parallel_loop3A_473 = arith.index_cast %parallel_loop3A_472 : i32 to index
          %parallel_loop3A_474 = arith.constant 16 : index
          %parallel_loop3A_475 = tpu.vector_load %arg6[%parallel_loop3A_473, %parallel_loop3A_474] {strides = array<i32>} : memref<768x128xf32, #tpu.memory_space<vmem>>, vector<16xf32>,
          %parallel_loop3A_476 = arith.constant 16 : i32
          %parallel_loop3A_477 = arith.muli %parallel_loop3A_409, %parallel_loop3A_476 : i32
          %parallel_loop3A_478 = arith.addi %mul3A_188, %parallel_loop3A_477 : i32
          %parallel_loop3A_479 = arith.constant 1 : i32
          %parallel_loop3A_480 = arith.addi %parallel_loop3A_478, %parallel_loop3A_479 : i32
          %parallel_loop3A_481 = arith.index_cast %parallel_loop3A_480 : i32 to index
          %parallel_loop3A_482 = arith.constant 0 : index
          %parallel_loop3A_483 = tpu.vector_load %arg6[%parallel_loop3A_481, %parallel_loop3A_482] {strides = array<i32>} : memref<768x128xf32, #tpu.memory_space<vmem>>, vector<16xf32>,
          %parallel_loop3A_484 = arith.constant 16 : i32
          %parallel_loop3A_485 = arith.muli %parallel_loop3A_409, %parallel_loop3A_484 : i32
          %parallel_loop3A_486 = arith.addi %mul3A_188, %parallel_loop3A_485 : i32
          %parallel_loop3A_487 = arith.constant 1 : i32
          %parallel_loop3A_488 = arith.addi %parallel_loop3A_486, %parallel_loop3A_487 : i32
          %parallel_loop3A_489 = arith.index_cast %parallel_loop3A_488 : i32 to index
          %parallel_loop3A_490 = arith.constant 16 : index
          %parallel_loop3A_491 = tpu.vector_load %arg6[%parallel_loop3A_489, %parallel_loop3A_490] {strides = array<i32>} : memref<768x128xf32, #tpu.memory_space<vmem>>, vector<16xf32>,
          %parallel_loop3A_492 = arith.constant 16 : i32
          %parallel_loop3A_493 = arith.muli %parallel_loop3A_409, %parallel_loop3A_492 : i32
          %parallel_loop3A_494 = arith.addi %mul3A_188, %parallel_loop3A_493 : i32
          %parallel_loop3A_495 = arith.constant 2 : i32
          %parallel_loop3A_496 = arith.addi %parallel_loop3A_494, %parallel_loop3A_495 : i32
          %parallel_loop3A_497 = arith.index_cast %parallel_loop3A_496 : i32 to index
          %parallel_loop3A_498 = arith.constant 0 : index
          %parallel_loop3A_499 = tpu.vector_load %arg6[%parallel_loop3A_497, %parallel_loop3A_498] {strides = array<i32>} : memref<768x128xf32, #tpu.memory_space<vmem>>, vector<16xf32>,
          %parallel_loop3A_500 = arith.constant 16 : i32
          %parallel_loop3A_501 = arith.muli %parallel_loop3A_409, %parallel_loop3A_500 : i32
          %parallel_loop3A_502 = arith.addi %mul3A_188, %parallel_loop3A_501 : i32
          %parallel_loop3A_503 = arith.constant 2 : i32
          %parallel_loop3A_504 = arith.addi %parallel_loop3A_502, %parallel_loop3A_503 : i32
          %parallel_loop3A_505 = arith.index_cast %parallel_loop3A_504 : i32 to index
          %parallel_loop3A_506 = arith.constant 16 : index
          %parallel_loop3A_507 = tpu.vector_load %arg6[%parallel_loop3A_505, %parallel_loop3A_506] {strides = array<i32>} : memref<768x128xf32, #tpu.memory_space<vmem>>, vector<16xf32>,
          %parallel_loop3A_508 = arith.constant 16 : i32
          %parallel_loop3A_509 = arith.muli %parallel_loop3A_409, %parallel_loop3A_508 : i32
          %parallel_loop3A_510 = arith.addi %mul3A_188, %parallel_loop3A_509 : i32
          %parallel_loop3A_511 = arith.constant 3 : i32
          %parallel_loop3A_512 = arith.addi %parallel_loop3A_510, %parallel_loop3A_511 : i32
          %parallel_loop3A_513 = arith.index_cast %parallel_loop3A_512 : i32 to index
          %parallel_loop3A_514 = arith.constant 0 : index
          %parallel_loop3A_515 = tpu.vector_load %arg6[%parallel_loop3A_513, %parallel_loop3A_514] {strides = array<i32>} : memref<768x128xf32, #tpu.memory_space<vmem>>, vector<16xf32>,
          %parallel_loop3A_516 = arith.constant 16 : i32
          %parallel_loop3A_517 = arith.muli %parallel_loop3A_409, %parallel_loop3A_516 : i32
          %parallel_loop3A_518 = arith.addi %mul3A_188, %parallel_loop3A_517 : i32
          %parallel_loop3A_519 = arith.constant 3 : i32
          %parallel_loop3A_520 = arith.addi %parallel_loop3A_518, %parallel_loop3A_519 : i32
          %parallel_loop3A_521 = arith.index_cast %parallel_loop3A_520 : i32 to index
          %parallel_loop3A_522 = arith.constant 16 : index
          %parallel_loop3A_523 = tpu.vector_load %arg6[%parallel_loop3A_521, %parallel_loop3A_522] {strides = array<i32>} : memref<768x128xf32, #tpu.memory_space<vmem>>, vector<16xf32>,
          %parallel_loop3A_524 = arith.constant 16 : i32
          %parallel_loop3A_525 = arith.muli %parallel_loop3A_409, %parallel_loop3A_524 : i32
          %parallel_loop3A_526 = arith.addi %mul3A_188, %parallel_loop3A_525 : i32
          %parallel_loop3A_527 = arith.constant 4 : i32
          %parallel_loop3A_528 = arith.addi %parallel_loop3A_526, %parallel_loop3A_527 : i32
          %parallel_loop3A_529 = arith.index_cast %parallel_loop3A_528 : i32 to index
          %parallel_loop3A_530 = arith.constant 0 : index
          %parallel_loop3A_531 = tpu.vector_load %arg6[%parallel_loop3A_529, %parallel_loop3A_530] {strides = array<i32>} : memref<768x128xf32, #tpu.memory_space<vmem>>, vector<16xf32>,
          %parallel_loop3A_532 = arith.constant 16 : i32
          %parallel_loop3A_533 = arith.muli %parallel_loop3A_409, %parallel_loop3A_532 : i32
          %parallel_loop3A_534 = arith.addi %mul3A_188, %parallel_loop3A_533 : i32
          %parallel_loop3A_535 = arith.constant 4 : i32
          %parallel_loop3A_536 = arith.addi %parallel_loop3A_534, %parallel_loop3A_535 : i32
          %parallel_loop3A_537 = arith.index_cast %parallel_loop3A_536 : i32 to index
          %parallel_loop3A_538 = arith.constant 16 : index
          %parallel_loop3A_539 = tpu.vector_load %arg6[%parallel_loop3A_537, %parallel_loop3A_538] {strides = array<i32>} : memref<768x128xf32, #tpu.memory_space<vmem>>, vector<16xf32>,
          %parallel_loop3A_540 = arith.constant 16 : i32
          %parallel_loop3A_541 = arith.muli %parallel_loop3A_409, %parallel_loop3A_540 : i32
          %parallel_loop3A_542 = arith.addi %mul3A_188, %parallel_loop3A_541 : i32
          %parallel_loop3A_543 = arith.constant 5 : i32
          %parallel_loop3A_544 = arith.addi %parallel_loop3A_542, %parallel_loop3A_543 : i32
          %parallel_loop3A_545 = arith.index_cast %parallel_loop3A_544 : i32 to index
          %parallel_loop3A_546 = arith.constant 0 : index
          %parallel_loop3A_547 = tpu.vector_load %arg6[%parallel_loop3A_545, %parallel_loop3A_546] {strides = array<i32>} : memref<768x128xf32, #tpu.memory_space<vmem>>, vector<16xf32>,
          %parallel_loop3A_548 = arith.constant 16 : i32
          %parallel_loop3A_549 = arith.muli %parallel_loop3A_409, %parallel_loop3A_548 : i32
          %parallel_loop3A_550 = arith.addi %mul3A_188, %parallel_loop3A_549 : i32
          %parallel_loop3A_551 = arith.constant 5 : i32
          %parallel_loop3A_552 = arith.addi %parallel_loop3A_550, %parallel_loop3A_551 : i32
          %parallel_loop3A_553 = arith.index_cast %parallel_loop3A_552 : i32 to index
          %parallel_loop3A_554 = arith.constant 16 : index
          %parallel_loop3A_555 = tpu.vector_load %arg6[%parallel_loop3A_553, %parallel_loop3A_554] {strides = array<i32>} : memref<768x128xf32, #tpu.memory_space<vmem>>, vector<16xf32>,
          %parallel_loop3A_556 = arith.constant 16 : i32
          %parallel_loop3A_557 = arith.muli %parallel_loop3A_409, %parallel_loop3A_556 : i32
          %parallel_loop3A_558 = arith.addi %mul3A_188, %parallel_loop3A_557 : i32
          %parallel_loop3A_559 = arith.constant 6 : i32
          %parallel_loop3A_560 = arith.addi %parallel_loop3A_558, %parallel_loop3A_559 : i32
          %parallel_loop3A_561 = arith.index_cast %parallel_loop3A_560 : i32 to index
          %parallel_loop3A_562 = arith.constant 0 : index
          %parallel_loop3A_563 = tpu.vector_load %arg6[%parallel_loop3A_561, %parallel_loop3A_562] {strides = array<i32>} : memref<768x128xf32, #tpu.memory_space<vmem>>, vector<16xf32>,
          %parallel_loop3A_564 = arith.constant 16 : i32
          %parallel_loop3A_565 = arith.muli %parallel_loop3A_409, %parallel_loop3A_564 : i32
          %parallel_loop3A_566 = arith.addi %mul3A_188, %parallel_loop3A_565 : i32
          %parallel_loop3A_567 = arith.constant 6 : i32
          %parallel_loop3A_568 = arith.addi %parallel_loop3A_566, %parallel_loop3A_567 : i32
          %parallel_loop3A_569 = arith.index_cast %parallel_loop3A_568 : i32 to index
          %parallel_loop3A_570 = arith.constant 16 : index
          %parallel_loop3A_571 = tpu.vector_load %arg6[%parallel_loop3A_569, %parallel_loop3A_570] {strides = array<i32>} : memref<768x128xf32, #tpu.memory_space<vmem>>, vector<16xf32>,
          %parallel_loop3A_572 = arith.constant 16 : i32
          %parallel_loop3A_573 = arith.muli %parallel_loop3A_409, %parallel_loop3A_572 : i32
          %parallel_loop3A_574 = arith.addi %mul3A_188, %parallel_loop3A_573 : i32
          %parallel_loop3A_575 = arith.constant 7 : i32
          %parallel_loop3A_576 = arith.addi %parallel_loop3A_574, %parallel_loop3A_575 : i32
          %parallel_loop3A_577 = arith.index_cast %parallel_loop3A_576 : i32 to index
          %parallel_loop3A_578 = arith.constant 0 : index
          %parallel_loop3A_579 = tpu.vector_load %arg6[%parallel_loop3A_577, %parallel_loop3A_578] {strides = array<i32>} : memref<768x128xf32, #tpu.memory_space<vmem>>, vector<16xf32>,
          %parallel_loop3A_580 = arith.constant 16 : i32
          %parallel_loop3A_581 = arith.muli %parallel_loop3A_409, %parallel_loop3A_580 : i32
          %parallel_loop3A_582 = arith.addi %mul3A_188, %parallel_loop3A_581 : i32
          %parallel_loop3A_583 = arith.constant 7 : i32
          %parallel_loop3A_584 = arith.addi %parallel_loop3A_582, %parallel_loop3A_583 : i32
          %parallel_loop3A_585 = arith.index_cast %parallel_loop3A_584 : i32 to index
          %parallel_loop3A_586 = arith.constant 16 : index
          %parallel_loop3A_587 = tpu.vector_load %arg6[%parallel_loop3A_585, %parallel_loop3A_586] {strides = array<i32>} : memref<768x128xf32, #tpu.memory_space<vmem>>, vector<16xf32>,
          %parallel_loop3A_588 = arith.constant 16 : i32
          %parallel_loop3A_589 = arith.muli %parallel_loop3A_409, %parallel_loop3A_588 : i32
          %parallel_loop3A_590 = arith.addi %mul3A_188, %parallel_loop3A_589 : i32
          %parallel_loop3A_591 = arith.constant 8 : i32
          %parallel_loop3A_592 = arith.addi %parallel_loop3A_590, %parallel_loop3A_591 : i32
          %parallel_loop3A_593 = arith.index_cast %parallel_loop3A_592 : i32 to index
          %parallel_loop3A_594 = arith.constant 0 : index
          %parallel_loop3A_595 = tpu.vector_load %arg6[%parallel_loop3A_593, %parallel_loop3A_594] {strides = array<i32>} : memref<768x128xf32, #tpu.memory_space<vmem>>, vector<16xf32>,
          %parallel_loop3A_596 = arith.constant 16 : i32
          %parallel_loop3A_597 = arith.muli %parallel_loop3A_409, %parallel_loop3A_596 : i32
          %parallel_loop3A_598 = arith.addi %mul3A_188, %parallel_loop3A_597 : i32
          %parallel_loop3A_599 = arith.constant 8 : i32
          %parallel_loop3A_600 = arith.addi %parallel_loop3A_598, %parallel_loop3A_599 : i32
          %parallel_loop3A_601 = arith.index_cast %parallel_loop3A_600 : i32 to index
          %parallel_loop3A_602 = arith.constant 16 : index
          %parallel_loop3A_603 = tpu.vector_load %arg6[%parallel_loop3A_601, %parallel_loop3A_602] {strides = array<i32>} : memref<768x128xf32, #tpu.memory_space<vmem>>, vector<16xf32>,
          %parallel_loop3A_604 = arith.constant 16 : i32
          %parallel_loop3A_605 = arith.muli %parallel_loop3A_409, %parallel_loop3A_604 : i32
          %parallel_loop3A_606 = arith.addi %mul3A_188, %parallel_loop3A_605 : i32
          %parallel_loop3A_607 = arith.constant 9 : i32
          %parallel_loop3A_608 = arith.addi %parallel_loop3A_606, %parallel_loop3A_607 : i32
          %parallel_loop3A_609 = arith.index_cast %parallel_loop3A_608 : i32 to index
          %parallel_loop3A_610 = arith.constant 0 : index
          %parallel_loop3A_611 = tpu.vector_load %arg6[%parallel_loop3A_609, %parallel_loop3A_610] {strides = array<i32>} : memref<768x128xf32, #tpu.memory_space<vmem>>, vector<16xf32>,
          %parallel_loop3A_612 = arith.constant 16 : i32
          %parallel_loop3A_613 = arith.muli %parallel_loop3A_409, %parallel_loop3A_612 : i32
          %parallel_loop3A_614 = arith.addi %mul3A_188, %parallel_loop3A_613 : i32
          %parallel_loop3A_615 = arith.constant 9 : i32
          %parallel_loop3A_616 = arith.addi %parallel_loop3A_614, %parallel_loop3A_615 : i32
          %parallel_loop3A_617 = arith.index_cast %parallel_loop3A_616 : i32 to index
          %parallel_loop3A_618 = arith.constant 16 : index
          %parallel_loop3A_619 = tpu.vector_load %arg6[%parallel_loop3A_617, %parallel_loop3A_618] {strides = array<i32>} : memref<768x128xf32, #tpu.memory_space<vmem>>, vector<16xf32>,
          %parallel_loop3A_620 = arith.constant 16 : i32
          %parallel_loop3A_621 = arith.muli %parallel_loop3A_409, %parallel_loop3A_620 : i32
          %parallel_loop3A_622 = arith.addi %mul3A_188, %parallel_loop3A_621 : i32
          %parallel_loop3A_623 = arith.constant 10 : i32
          %parallel_loop3A_624 = arith.addi %parallel_loop3A_622, %parallel_loop3A_623 : i32
          %parallel_loop3A_625 = arith.index_cast %parallel_loop3A_624 : i32 to index
          %parallel_loop3A_626 = arith.constant 0 : index
          %parallel_loop3A_627 = tpu.vector_load %arg6[%parallel_loop3A_625, %parallel_loop3A_626] {strides = array<i32>} : memref<768x128xf32, #tpu.memory_space<vmem>>, vector<16xf32>,
          %parallel_loop3A_628 = arith.constant 16 : i32
          %parallel_loop3A_629 = arith.muli %parallel_loop3A_409, %parallel_loop3A_628 : i32
          %parallel_loop3A_630 = arith.addi %mul3A_188, %parallel_loop3A_629 : i32
          %parallel_loop3A_631 = arith.constant 10 : i32
          %parallel_loop3A_632 = arith.addi %parallel_loop3A_630, %parallel_loop3A_631 : i32
          %parallel_loop3A_633 = arith.index_cast %parallel_loop3A_632 : i32 to index
          %parallel_loop3A_634 = arith.constant 16 : index
          %parallel_loop3A_635 = tpu.vector_load %arg6[%parallel_loop3A_633, %parallel_loop3A_634] {strides = array<i32>} : memref<768x128xf32, #tpu.memory_space<vmem>>, vector<16xf32>,
          %parallel_loop3A_636 = arith.constant 16 : i32
          %parallel_loop3A_637 = arith.muli %parallel_loop3A_409, %parallel_loop3A_636 : i32
          %parallel_loop3A_638 = arith.addi %mul3A_188, %parallel_loop3A_637 : i32
          %parallel_loop3A_639 = arith.constant 11 : i32
          %parallel_loop3A_640 = arith.addi %parallel_loop3A_638, %parallel_loop3A_639 : i32
          %parallel_loop3A_641 = arith.index_cast %parallel_loop3A_640 : i32 to index
          %parallel_loop3A_642 = arith.constant 0 : index
          %parallel_loop3A_643 = tpu.vector_load %arg6[%parallel_loop3A_641, %parallel_loop3A_642] {strides = array<i32>} : memref<768x128xf32, #tpu.memory_space<vmem>>, vector<16xf32>,
          %parallel_loop3A_644 = arith.constant 16 : i32
          %parallel_loop3A_645 = arith.muli %parallel_loop3A_409, %parallel_loop3A_644 : i32
          %parallel_loop3A_646 = arith.addi %mul3A_188, %parallel_loop3A_645 : i32
          %parallel_loop3A_647 = arith.constant 11 : i32
          %parallel_loop3A_648 = arith.addi %parallel_loop3A_646, %parallel_loop3A_647 : i32
          %parallel_loop3A_649 = arith.index_cast %parallel_loop3A_648 : i32 to index
          %parallel_loop3A_650 = arith.constant 16 : index
          %parallel_loop3A_651 = tpu.vector_load %arg6[%parallel_loop3A_649, %parallel_loop3A_650] {strides = array<i32>} : memref<768x128xf32, #tpu.memory_space<vmem>>, vector<16xf32>,
          %parallel_loop3A_652 = arith.constant 16 : i32
          %parallel_loop3A_653 = arith.muli %parallel_loop3A_409, %parallel_loop3A_652 : i32
          %parallel_loop3A_654 = arith.addi %mul3A_188, %parallel_loop3A_653 : i32
          %parallel_loop3A_655 = arith.constant 12 : i32
          %parallel_loop3A_656 = arith.addi %parallel_loop3A_654, %parallel_loop3A_655 : i32
          %parallel_loop3A_657 = arith.index_cast %parallel_loop3A_656 : i32 to index
          %parallel_loop3A_658 = arith.constant 0 : index
          %parallel_loop3A_659 = tpu.vector_load %arg6[%parallel_loop3A_657, %parallel_loop3A_658] {strides = array<i32>} : memref<768x128xf32, #tpu.memory_space<vmem>>, vector<16xf32>,
          %parallel_loop3A_660 = arith.constant 16 : i32
          %parallel_loop3A_661 = arith.muli %parallel_loop3A_409, %parallel_loop3A_660 : i32
          %parallel_loop3A_662 = arith.addi %mul3A_188, %parallel_loop3A_661 : i32
          %parallel_loop3A_663 = arith.constant 12 : i32
          %parallel_loop3A_664 = arith.addi %parallel_loop3A_662, %parallel_loop3A_663 : i32
          %parallel_loop3A_665 = arith.index_cast %parallel_loop3A_664 : i32 to index
          %parallel_loop3A_666 = arith.constant 16 : index
          %parallel_loop3A_667 = tpu.vector_load %arg6[%parallel_loop3A_665, %parallel_loop3A_666] {strides = array<i32>} : memref<768x128xf32, #tpu.memory_space<vmem>>, vector<16xf32>,
          %parallel_loop3A_668 = arith.constant 16 : i32
          %parallel_loop3A_669 = arith.muli %parallel_loop3A_409, %parallel_loop3A_668 : i32
          %parallel_loop3A_670 = arith.addi %mul3A_188, %parallel_loop3A_669 : i32
          %parallel_loop3A_671 = arith.constant 13 : i32
          %parallel_loop3A_672 = arith.addi %parallel_loop3A_670, %parallel_loop3A_671 : i32
          %parallel_loop3A_673 = arith.index_cast %parallel_loop3A_672 : i32 to index
          %parallel_loop3A_674 = arith.constant 0 : index
          %parallel_loop3A_675 = tpu.vector_load %arg6[%parallel_loop3A_673, %parallel_loop3A_674] {strides = array<i32>} : memref<768x128xf32, #tpu.memory_space<vmem>>, vector<16xf32>,
          %parallel_loop3A_676 = arith.constant 16 : i32
          %parallel_loop3A_677 = arith.muli %parallel_loop3A_409, %parallel_loop3A_676 : i32
          %parallel_loop3A_678 = arith.addi %mul3A_188, %parallel_loop3A_677 : i32
          %parallel_loop3A_679 = arith.constant 13 : i32
          %parallel_loop3A_680 = arith.addi %parallel_loop3A_678, %parallel_loop3A_679 : i32
          %parallel_loop3A_681 = arith.index_cast %parallel_loop3A_680 : i32 to index
          %parallel_loop3A_682 = arith.constant 16 : index
          %parallel_loop3A_683 = tpu.vector_load %arg6[%parallel_loop3A_681, %parallel_loop3A_682] {strides = array<i32>} : memref<768x128xf32, #tpu.memory_space<vmem>>, vector<16xf32>,
          %parallel_loop3A_684 = arith.constant 16 : i32
          %parallel_loop3A_685 = arith.muli %parallel_loop3A_409, %parallel_loop3A_684 : i32
          %parallel_loop3A_686 = arith.addi %mul3A_188, %parallel_loop3A_685 : i32
          %parallel_loop3A_687 = arith.constant 14 : i32
          %parallel_loop3A_688 = arith.addi %parallel_loop3A_686, %parallel_loop3A_687 : i32
          %parallel_loop3A_689 = arith.index_cast %parallel_loop3A_688 : i32 to index
          %parallel_loop3A_690 = arith.constant 0 : index
          %parallel_loop3A_691 = tpu.vector_load %arg6[%parallel_loop3A_689, %parallel_loop3A_690] {strides = array<i32>} : memref<768x128xf32, #tpu.memory_space<vmem>>, vector<16xf32>,
          %parallel_loop3A_692 = arith.constant 16 : i32
          %parallel_loop3A_693 = arith.muli %parallel_loop3A_409, %parallel_loop3A_692 : i32
          %parallel_loop3A_694 = arith.addi %mul3A_188, %parallel_loop3A_693 : i32
          %parallel_loop3A_695 = arith.constant 14 : i32
          %parallel_loop3A_696 = arith.addi %parallel_loop3A_694, %parallel_loop3A_695 : i32
          %parallel_loop3A_697 = arith.index_cast %parallel_loop3A_696 : i32 to index
          %parallel_loop3A_698 = arith.constant 16 : index
          %parallel_loop3A_699 = tpu.vector_load %arg6[%parallel_loop3A_697, %parallel_loop3A_698] {strides = array<i32>} : memref<768x128xf32, #tpu.memory_space<vmem>>, vector<16xf32>,
          %parallel_loop3A_700 = arith.constant 16 : i32
          %parallel_loop3A_701 = arith.muli %parallel_loop3A_409, %parallel_loop3A_700 : i32
          %parallel_loop3A_702 = arith.addi %mul3A_188, %parallel_loop3A_701 : i32
          %parallel_loop3A_703 = arith.constant 15 : i32
          %parallel_loop3A_704 = arith.addi %parallel_loop3A_702, %parallel_loop3A_703 : i32
          %parallel_loop3A_705 = arith.index_cast %parallel_loop3A_704 : i32 to index
          %parallel_loop3A_706 = arith.constant 0 : index
          %parallel_loop3A_707 = tpu.vector_load %arg6[%parallel_loop3A_705, %parallel_loop3A_706] {strides = array<i32>} : memref<768x128xf32, #tpu.memory_space<vmem>>, vector<16xf32>,
          %parallel_loop3A_708 = arith.constant 16 : i32
          %parallel_loop3A_709 = arith.muli %parallel_loop3A_409, %parallel_loop3A_708 : i32
          %parallel_loop3A_710 = arith.addi %mul3A_188, %parallel_loop3A_709 : i32
          %parallel_loop3A_711 = arith.constant 15 : i32
          %parallel_loop3A_712 = arith.addi %parallel_loop3A_710, %parallel_loop3A_711 : i32
          %parallel_loop3A_713 = arith.index_cast %parallel_loop3A_712 : i32 to index
          %parallel_loop3A_714 = arith.constant 16 : index
          %parallel_loop3A_715 = tpu.vector_load %arg6[%parallel_loop3A_713, %parallel_loop3A_714] {strides = array<i32>} : memref<768x128xf32, #tpu.memory_space<vmem>>, vector<16xf32>,
          %parallel_loop3A_716 = arith.constant 0 : i32
          %parallel_loop3A_717 = arith.addi %parallel_loop3A_451, %parallel_loop3A_716 : i32
          %parallel_loop3A_718 = vector.broadcast %parallel_loop3A_717 : i32 to vector<16xi32>
          tpu.vector_store_idx %arg7[%parallel_loop3A_456, %parallel_loop3A_718], %parallel_loop3A_467 : memref<128x129xf32, #tpu.memory_space<vmem>>[vector<16xi32>, vector<16xi32>], vector<16xf32>,
          tpu.vector_store_idx %arg7[%parallel_loop3A_459, %parallel_loop3A_718], %parallel_loop3A_475 : memref<128x129xf32, #tpu.memory_space<vmem>>[vector<16xi32>, vector<16xi32>], vector<16xf32>,
          %parallel_loop3A_719 = arith.constant 1 : i32
          %parallel_loop3A_720 = arith.addi %parallel_loop3A_451, %parallel_loop3A_719 : i32
          %parallel_loop3A_721 = vector.broadcast %parallel_loop3A_720 : i32 to vector<16xi32>
          tpu.vector_store_idx %arg7[%parallel_loop3A_456, %parallel_loop3A_721], %parallel_loop3A_483 : memref<128x129xf32, #tpu.memory_space<vmem>>[vector<16xi32>, vector<16xi32>], vector<16xf32>,
          tpu.vector_store_idx %arg7[%parallel_loop3A_459, %parallel_loop3A_721], %parallel_loop3A_491 : memref<128x129xf32, #tpu.memory_space<vmem>>[vector<16xi32>, vector<16xi32>], vector<16xf32>,
          %parallel_loop3A_722 = arith.constant 2 : i32
          %parallel_loop3A_723 = arith.addi %parallel_loop3A_451, %parallel_loop3A_722 : i32
          %parallel_loop3A_724 = vector.broadcast %parallel_loop3A_723 : i32 to vector<16xi32>
          tpu.vector_store_idx %arg7[%parallel_loop3A_456, %parallel_loop3A_724], %parallel_loop3A_499 : memref<128x129xf32, #tpu.memory_space<vmem>>[vector<16xi32>, vector<16xi32>], vector<16xf32>,
          tpu.vector_store_idx %arg7[%parallel_loop3A_459, %parallel_loop3A_724], %parallel_loop3A_507 : memref<128x129xf32, #tpu.memory_space<vmem>>[vector<16xi32>, vector<16xi32>], vector<16xf32>,
          %parallel_loop3A_725 = arith.constant 3 : i32
          %parallel_loop3A_726 = arith.addi %parallel_loop3A_451, %parallel_loop3A_725 : i32
          %parallel_loop3A_727 = vector.broadcast %parallel_loop3A_726 : i32 to vector<16xi32>
          tpu.vector_store_idx %arg7[%parallel_loop3A_456, %parallel_loop3A_727], %parallel_loop3A_515 : memref<128x129xf32, #tpu.memory_space<vmem>>[vector<16xi32>, vector<16xi32>], vector<16xf32>,
          tpu.vector_store_idx %arg7[%parallel_loop3A_459, %parallel_loop3A_727], %parallel_loop3A_523 : memref<128x129xf32, #tpu.memory_space<vmem>>[vector<16xi32>, vector<16xi32>], vector<16xf32>,
          %parallel_loop3A_728 = arith.constant 4 : i32
          %parallel_loop3A_729 = arith.addi %parallel_loop3A_451, %parallel_loop3A_728 : i32
          %parallel_loop3A_730 = vector.broadcast %parallel_loop3A_729 : i32 to vector<16xi32>
          tpu.vector_store_idx %arg7[%parallel_loop3A_456, %parallel_loop3A_730], %parallel_loop3A_531 : memref<128x129xf32, #tpu.memory_space<vmem>>[vector<16xi32>, vector<16xi32>], vector<16xf32>,
          tpu.vector_store_idx %arg7[%parallel_loop3A_459, %parallel_loop3A_730], %parallel_loop3A_539 : memref<128x129xf32, #tpu.memory_space<vmem>>[vector<16xi32>, vector<16xi32>], vector<16xf32>,
          %parallel_loop3A_731 = arith.constant 5 : i32
          %parallel_loop3A_732 = arith.addi %parallel_loop3A_451, %parallel_loop3A_731 : i32
          %parallel_loop3A_733 = vector.broadcast %parallel_loop3A_732 : i32 to vector<16xi32>
          tpu.vector_store_idx %arg7[%parallel_loop3A_456, %parallel_loop3A_733], %parallel_loop3A_547 : memref<128x129xf32, #tpu.memory_space<vmem>>[vector<16xi32>, vector<16xi32>], vector<16xf32>,
          tpu.vector_store_idx %arg7[%parallel_loop3A_459, %parallel_loop3A_733], %parallel_loop3A_555 : memref<128x129xf32, #tpu.memory_space<vmem>>[vector<16xi32>, vector<16xi32>], vector<16xf32>,
          %parallel_loop3A_734 = arith.constant 6 : i32
          %parallel_loop3A_735 = arith.addi %parallel_loop3A_451, %parallel_loop3A_734 : i32
          %parallel_loop3A_736 = vector.broadcast %parallel_loop3A_735 : i32 to vector<16xi32>
          tpu.vector_store_idx %arg7[%parallel_loop3A_456, %parallel_loop3A_736], %parallel_loop3A_563 : memref<128x129xf32, #tpu.memory_space<vmem>>[vector<16xi32>, vector<16xi32>], vector<16xf32>,
          tpu.vector_store_idx %arg7[%parallel_loop3A_459, %parallel_loop3A_736], %parallel_loop3A_571 : memref<128x129xf32, #tpu.memory_space<vmem>>[vector<16xi32>, vector<16xi32>], vector<16xf32>,
          %parallel_loop3A_737 = arith.constant 7 : i32
          %parallel_loop3A_738 = arith.addi %parallel_loop3A_451, %parallel_loop3A_737 : i32
          %parallel_loop3A_739 = vector.broadcast %parallel_loop3A_738 : i32 to vector<16xi32>
          tpu.vector_store_idx %arg7[%parallel_loop3A_456, %parallel_loop3A_739], %parallel_loop3A_579 : memref<128x129xf32, #tpu.memory_space<vmem>>[vector<16xi32>, vector<16xi32>], vector<16xf32>,
          tpu.vector_store_idx %arg7[%parallel_loop3A_459, %parallel_loop3A_739], %parallel_loop3A_587 : memref<128x129xf32, #tpu.memory_space<vmem>>[vector<16xi32>, vector<16xi32>], vector<16xf32>,
          %parallel_loop3A_740 = arith.constant 8 : i32
          %parallel_loop3A_741 = arith.addi %parallel_loop3A_451, %parallel_loop3A_740 : i32
          %parallel_loop3A_742 = vector.broadcast %parallel_loop3A_741 : i32 to vector<16xi32>
          tpu.vector_store_idx %arg7[%parallel_loop3A_456, %parallel_loop3A_742], %parallel_loop3A_595 : memref<128x129xf32, #tpu.memory_space<vmem>>[vector<16xi32>, vector<16xi32>], vector<16xf32>,
          tpu.vector_store_idx %arg7[%parallel_loop3A_459, %parallel_loop3A_742], %parallel_loop3A_603 : memref<128x129xf32, #tpu.memory_space<vmem>>[vector<16xi32>, vector<16xi32>], vector<16xf32>,
          %parallel_loop3A_743 = arith.constant 9 : i32
          %parallel_loop3A_744 = arith.addi %parallel_loop3A_451, %parallel_loop3A_743 : i32
          %parallel_loop3A_745 = vector.broadcast %parallel_loop3A_744 : i32 to vector<16xi32>
          tpu.vector_store_idx %arg7[%parallel_loop3A_456, %parallel_loop3A_745], %parallel_loop3A_611 : memref<128x129xf32, #tpu.memory_space<vmem>>[vector<16xi32>, vector<16xi32>], vector<16xf32>,
          tpu.vector_store_idx %arg7[%parallel_loop3A_459, %parallel_loop3A_745], %parallel_loop3A_619 : memref<128x129xf32, #tpu.memory_space<vmem>>[vector<16xi32>, vector<16xi32>], vector<16xf32>,
          %parallel_loop3A_746 = arith.constant 10 : i32
          %parallel_loop3A_747 = arith.addi %parallel_loop3A_451, %parallel_loop3A_746 : i32
          %parallel_loop3A_748 = vector.broadcast %parallel_loop3A_747 : i32 to vector<16xi32>
          tpu.vector_store_idx %arg7[%parallel_loop3A_456, %parallel_loop3A_748], %parallel_loop3A_627 : memref<128x129xf32, #tpu.memory_space<vmem>>[vector<16xi32>, vector<16xi32>], vector<16xf32>,
          tpu.vector_store_idx %arg7[%parallel_loop3A_459, %parallel_loop3A_748], %parallel_loop3A_635 : memref<128x129xf32, #tpu.memory_space<vmem>>[vector<16xi32>, vector<16xi32>], vector<16xf32>,
          %parallel_loop3A_749 = arith.constant 11 : i32
          %parallel_loop3A_750 = arith.addi %parallel_loop3A_451, %parallel_loop3A_749 : i32
          %parallel_loop3A_751 = vector.broadcast %parallel_loop3A_750 : i32 to vector<16xi32>
          tpu.vector_store_idx %arg7[%parallel_loop3A_456, %parallel_loop3A_751], %parallel_loop3A_643 : memref<128x129xf32, #tpu.memory_space<vmem>>[vector<16xi32>, vector<16xi32>], vector<16xf32>,
          tpu.vector_store_idx %arg7[%parallel_loop3A_459, %parallel_loop3A_751], %parallel_loop3A_651 : memref<128x129xf32, #tpu.memory_space<vmem>>[vector<16xi32>, vector<16xi32>], vector<16xf32>,
          %parallel_loop3A_752 = arith.constant 12 : i32
          %parallel_loop3A_753 = arith.addi %parallel_loop3A_451, %parallel_loop3A_752 : i32
          %parallel_loop3A_754 = vector.broadcast %parallel_loop3A_753 : i32 to vector<16xi32>
          tpu.vector_store_idx %arg7[%parallel_loop3A_456, %parallel_loop3A_754], %parallel_loop3A_659 : memref<128x129xf32, #tpu.memory_space<vmem>>[vector<16xi32>, vector<16xi32>], vector<16xf32>,
          tpu.vector_store_idx %arg7[%parallel_loop3A_459, %parallel_loop3A_754], %parallel_loop3A_667 : memref<128x129xf32, #tpu.memory_space<vmem>>[vector<16xi32>, vector<16xi32>], vector<16xf32>,
          %parallel_loop3A_755 = arith.constant 13 : i32
          %parallel_loop3A_756 = arith.addi %parallel_loop3A_451, %parallel_loop3A_755 : i32
          %parallel_loop3A_757 = vector.broadcast %parallel_loop3A_756 : i32 to vector<16xi32>
          tpu.vector_store_idx %arg7[%parallel_loop3A_456, %parallel_loop3A_757], %parallel_loop3A_675 : memref<128x129xf32, #tpu.memory_space<vmem>>[vector<16xi32>, vector<16xi32>], vector<16xf32>,
          tpu.vector_store_idx %arg7[%parallel_loop3A_459, %parallel_loop3A_757], %parallel_loop3A_683 : memref<128x129xf32, #tpu.memory_space<vmem>>[vector<16xi32>, vector<16xi32>], vector<16xf32>,
          %parallel_loop3A_758 = arith.constant 14 : i32
          %parallel_loop3A_759 = arith.addi %parallel_loop3A_451, %parallel_loop3A_758 : i32
          %parallel_loop3A_760 = vector.broadcast %parallel_loop3A_759 : i32 to vector<16xi32>
          tpu.vector_store_idx %arg7[%parallel_loop3A_456, %parallel_loop3A_760], %parallel_loop3A_691 : memref<128x129xf32, #tpu.memory_space<vmem>>[vector<16xi32>, vector<16xi32>], vector<16xf32>,
          tpu.vector_store_idx %arg7[%parallel_loop3A_459, %parallel_loop3A_760], %parallel_loop3A_699 : memref<128x129xf32, #tpu.memory_space<vmem>>[vector<16xi32>, vector<16xi32>], vector<16xf32>,
          %parallel_loop3A_761 = arith.constant 15 : i32
          %parallel_loop3A_762 = arith.addi %parallel_loop3A_451, %parallel_loop3A_761 : i32
          %parallel_loop3A_763 = vector.broadcast %parallel_loop3A_762 : i32 to vector<16xi32>
          tpu.vector_store_idx %arg7[%parallel_loop3A_456, %parallel_loop3A_763], %parallel_loop3A_707 : memref<128x129xf32, #tpu.memory_space<vmem>>[vector<16xi32>, vector<16xi32>], vector<16xf32>,
          tpu.vector_store_idx %arg7[%parallel_loop3A_459, %parallel_loop3A_763], %parallel_loop3A_715 : memref<128x129xf32, #tpu.memory_space<vmem>>[vector<16xi32>, vector<16xi32>], vector<16xf32>,
        } {sc.loop_unroll_factor = 2 : i64, sc.parallel_access}
        %add3A_209 = arith.constant 0 : i32
        %add3A_210 = arith.addi %mul3A_206, %add3A_209 : i32
        %add3A_211 = arith.constant 0 : i32
        %add3A_212 = arith.addi %add3A_210, %add3A_211 : i32
        %mul3A_213 = arith.constant 4 : i32
        %mul3A_214 = arith.muli %add3A_78, %mul3A_213 : i32
        %add3A_215 = arith.constant 0 : i32
        %add3A_216 = arith.addi %mul3A_214, %add3A_215 : i32
        %mul3A_217 = arith.constant 32 : i32
        %mul3A_218 = arith.muli %add3A_216, %mul3A_217 : i32
        %mul3A_219 = arith.constant 2 : i32
        %mul3A_220 = arith.muli %add3A_151, %mul3A_219 : i32
        %add3A_221 = arith.addi %mul3A_218, %mul3A_220 : i32
        %add3A_222 = arith.constant 0 : i32
        %add3A_223 = arith.addi %add3A_221, %add3A_222 : i32
        %mul3A_224 = arith.constant 8 : i32
        %mul3A_225 = arith.muli %add3A_223, %mul3A_224 : i32
        %dma_start3A_226 = arith.constant 0 : i32
        %dma_start3A_227 = tpu.memref_slice %arg7[%add3A_212, %dma_start3A_226] : memref<128x129xf32, #tpu.memory_space<vmem>> -> memref<8x128xf32, #tpu.memory_space<vmem>>
        %dma_start3A_228 = arith.constant 0 : i32
        %dma_start3A_229 = tpu.memref_slice %arg4[%mul3A_225, %dma_start3A_228] : memref<204800x128xf32, #tpu.memory_space<hbm>> -> memref<8x128xf32, #tpu.memory_space<hbm>>
        %dma_start3A_230 = arith.constant 0 : i32
        %dma_start3A_231 = tpu.memref_slice %arg4[%mul3A_225, %dma_start3A_230] : memref<204800x128xf32, #tpu.memory_space<hbm>> -> memref<8x128xf32, #tpu.memory_space<hbm>>
        %dma_start3A_232 = arith.constant 0 : i32
        %dma_start3A_233 = tpu.memref_slice %arg7[%add3A_212, %dma_start3A_232] : memref<128x129xf32, #tpu.memory_space<vmem>> -> memref<8x128xf32, #tpu.memory_space<vmem>>
        tpu.enqueue_dma source(%dma_start3A_233 : memref<8x128xf32, #tpu.memory_space<vmem>>) target(%dma_start3A_231 : memref<8x128xf32, #tpu.memory_space<hbm>>) target_semaphore(%arg9 : memref<!tpu.dma_semaphore, #tpu.memory_space<semaphore_mem>>)
        %add3A_234 = arith.constant 32 : i32
        %add3A_235 = arith.addi %mul3A_206, %add3A_234 : i32
        %add3A_236 = arith.constant 0 : i32
        %add3A_237 = arith.addi %add3A_235, %add3A_236 : i32
        %mul3A_238 = arith.constant 4 : i32
        %mul3A_239 = arith.muli %add3A_78, %mul3A_238 : i32
        %add3A_240 = arith.constant 0 : i32
        %add3A_241 = arith.addi %mul3A_239, %add3A_240 : i32
        %mul3A_242 = arith.constant 32 : i32
        %mul3A_243 = arith.muli %add3A_241, %mul3A_242 : i32
        %mul3A_244 = arith.constant 2 : i32
        %mul3A_245 = arith.muli %add3A_151, %mul3A_244 : i32
        %add3A_246 = arith.addi %mul3A_243, %mul3A_245 : i32
        %add3A_247 = arith.constant 1 : i32
        %add3A_248 = arith.addi %add3A_246, %add3A_247 : i32
        %mul3A_249 = arith.constant 8 : i32
        %mul3A_250 = arith.muli %add3A_248, %mul3A_249 : i32
        %dma_start3A_251 = arith.constant 0 : i32
        %dma_start3A_252 = tpu.memref_slice %arg7[%add3A_237, %dma_start3A_251] : memref<128x129xf32, #tpu.memory_space<vmem>> -> memref<8x128xf32, #tpu.memory_space<vmem>>
        %dma_start3A_253 = arith.constant 0 : i32
        %dma_start3A_254 = tpu.memref_slice %arg4[%mul3A_250, %dma_start3A_253] : memref<204800x128xf32, #tpu.memory_space<hbm>> -> memref<8x128xf32, #tpu.memory_space<hbm>>
        %dma_start3A_255 = arith.constant 0 : i32
        %dma_start3A_256 = tpu.memref_slice %arg4[%mul3A_250, %dma_start3A_255] : memref<204800x128xf32, #tpu.memory_space<hbm>> -> memref<8x128xf32, #tpu.memory_space<hbm>>
        %dma_start3A_257 = arith.constant 0 : i32
        %dma_start3A_258 = tpu.memref_slice %arg7[%add3A_237, %dma_start3A_257] : memref<128x129xf32, #tpu.memory_space<vmem>> -> memref<8x128xf32, #tpu.memory_space<vmem>>
        tpu.enqueue_dma source(%dma_start3A_258 : memref<8x128xf32, #tpu.memory_space<vmem>>) target(%dma_start3A_256 : memref<8x128xf32, #tpu.memory_space<hbm>>) target_semaphore(%arg9 : memref<!tpu.dma_semaphore, #tpu.memory_space<semaphore_mem>>)
        %add3A_259 = arith.constant 0 : i32
        %add3A_260 = arith.addi %mul3A_206, %add3A_259 : i32
        %add3A_261 = arith.constant 8 : i32
        %add3A_262 = arith.addi %add3A_260, %add3A_261 : i32
        %mul3A_263 = arith.constant 4 : i32
        %mul3A_264 = arith.muli %add3A_78, %mul3A_263 : i32
        %add3A_265 = arith.constant 1 : i32
        %add3A_266 = arith.addi %mul3A_264, %add3A_265 : i32
        %mul3A_267 = arith.constant 32 : i32
        %mul3A_268 = arith.muli %add3A_266, %mul3A_267 : i32
        %mul3A_269 = arith.constant 2 : i32
        %mul3A_270 = arith.muli %add3A_151, %mul3A_269 : i32
        %add3A_271 = arith.addi %mul3A_268, %mul3A_270 : i32
        %add3A_272 = arith.constant 0 : i32
        %add3A_273 = arith.addi %add3A_271, %add3A_272 : i32
        %mul3A_274 = arith.constant 8 : i32
        %mul3A_275 = arith.muli %add3A_273, %mul3A_274 : i32
        %dma_start3A_276 = arith.constant 0 : i32
        %dma_start3A_277 = tpu.memref_slice %arg7[%add3A_262, %dma_start3A_276] : memref<128x129xf32, #tpu.memory_space<vmem>> -> memref<8x128xf32, #tpu.memory_space<vmem>>
        %dma_start3A_278 = arith.constant 0 : i32
        %dma_start3A_279 = tpu.memref_slice %arg4[%mul3A_275, %dma_start3A_278] : memref<204800x128xf32, #tpu.memory_space<hbm>> -> memref<8x128xf32, #tpu.memory_space<hbm>>
        %dma_start3A_280 = arith.constant 0 : i32
        %dma_start3A_281 = tpu.memref_slice %arg4[%mul3A_275, %dma_start3A_280] : memref<204800x128xf32, #tpu.memory_space<hbm>> -> memref<8x128xf32, #tpu.memory_space<hbm>>
        %dma_start3A_282 = arith.constant 0 : i32
        %dma_start3A_283 = tpu.memref_slice %arg7[%add3A_262, %dma_start3A_282] : memref<128x129xf32, #tpu.memory_space<vmem>> -> memref<8x128xf32, #tpu.memory_space<vmem>>
        tpu.enqueue_dma source(%dma_start3A_283 : memref<8x128xf32, #tpu.memory_space<vmem>>) target(%dma_start3A_281 : memref<8x128xf32, #tpu.memory_space<hbm>>) target_semaphore(%arg9 : memref<!tpu.dma_semaphore, #tpu.memory_space<semaphore_mem>>)
        %add3A_284 = arith.constant 32 : i32
        %add3A_285 = arith.addi %mul3A_206, %add3A_284 : i32
        %add3A_286 = arith.constant 8 : i32
        %add3A_287 = arith.addi %add3A_285, %add3A_286 : i32
        %mul3A_288 = arith.constant 4 : i32
        %mul3A_289 = arith.muli %add3A_78, %mul3A_288 : i32
        %add3A_290 = arith.constant 1 : i32
        %add3A_291 = arith.addi %mul3A_289, %add3A_290 : i32
        %mul3A_292 = arith.constant 32 : i32
        %mul3A_293 = arith.muli %add3A_291, %mul3A_292 : i32
        %mul3A_294 = arith.constant 2 : i32
        %mul3A_295 = arith.muli %add3A_151, %mul3A_294 : i32
        %add3A_296 = arith.addi %mul3A_293, %mul3A_295 : i32
        %add3A_297 = arith.constant 1 : i32
        %add3A_298 = arith.addi %add3A_296, %add3A_297 : i32
        %mul3A_299 = arith.constant 8 : i32
        %mul3A_300 = arith.muli %add3A_298, %mul3A_299 : i32
        %dma_start3A_301 = arith.constant 0 : i32
        %dma_start3A_302 = tpu.memref_slice %arg7[%add3A_287, %dma_start3A_301] : memref<128x129xf32, #tpu.memory_space<vmem>> -> memref<8x128xf32, #tpu.memory_space<vmem>>
        %dma_start3A_303 = arith.constant 0 : i32
        %dma_start3A_304 = tpu.memref_slice %arg4[%mul3A_300, %dma_start3A_303] : memref<204800x128xf32, #tpu.memory_space<hbm>> -> memref<8x128xf32, #tpu.memory_space<hbm>>
        %dma_start3A_305 = arith.constant 0 : i32
        %dma_start3A_306 = tpu.memref_slice %arg4[%mul3A_300, %dma_start3A_305] : memref<204800x128xf32, #tpu.memory_space<hbm>> -> memref<8x128xf32, #tpu.memory_space<hbm>>
        %dma_start3A_307 = arith.constant 0 : i32
        %dma_start3A_308 = tpu.memref_slice %arg7[%add3A_287, %dma_start3A_307] : memref<128x129xf32, #tpu.memory_space<vmem>> -> memref<8x128xf32, #tpu.memory_space<vmem>>
        tpu.enqueue_dma source(%dma_start3A_308 : memref<8x128xf32, #tpu.memory_space<vmem>>) target(%dma_start3A_306 : memref<8x128xf32, #tpu.memory_space<hbm>>) target_semaphore(%arg9 : memref<!tpu.dma_semaphore, #tpu.memory_space<semaphore_mem>>)
        %add3A_309 = arith.constant 0 : i32
        %add3A_310 = arith.addi %mul3A_206, %add3A_309 : i32
        %add3A_311 = arith.constant 16 : i32
        %add3A_312 = arith.addi %add3A_310, %add3A_311 : i32
        %mul3A_313 = arith.constant 4 : i32
        %mul3A_314 = arith.muli %add3A_78, %mul3A_313 : i32
        %add3A_315 = arith.constant 2 : i32
        %add3A_316 = arith.addi %mul3A_314, %add3A_315 : i32
        %mul3A_317 = arith.constant 32 : i32
        %mul3A_318 = arith.muli %add3A_316, %mul3A_317 : i32
        %mul3A_319 = arith.constant 2 : i32
        %mul3A_320 = arith.muli %add3A_151, %mul3A_319 : i32
        %add3A_321 = arith.addi %mul3A_318, %mul3A_320 : i32
        %add3A_322 = arith.constant 0 : i32
        %add3A_323 = arith.addi %add3A_321, %add3A_322 : i32
        %mul3A_324 = arith.constant 8 : i32
        %mul3A_325 = arith.muli %add3A_323, %mul3A_324 : i32
        %dma_start3A_326 = arith.constant 0 : i32
        %dma_start3A_327 = tpu.memref_slice %arg7[%add3A_312, %dma_start3A_326] : memref<128x129xf32, #tpu.memory_space<vmem>> -> memref<8x128xf32, #tpu.memory_space<vmem>>
        %dma_start3A_328 = arith.constant 0 : i32
        %dma_start3A_329 = tpu.memref_slice %arg4[%mul3A_325, %dma_start3A_328] : memref<204800x128xf32, #tpu.memory_space<hbm>> -> memref<8x128xf32, #tpu.memory_space<hbm>>
        %dma_start3A_330 = arith.constant 0 : i32
        %dma_start3A_331 = tpu.memref_slice %arg4[%mul3A_325, %dma_start3A_330] : memref<204800x128xf32, #tpu.memory_space<hbm>> -> memref<8x128xf32, #tpu.memory_space<hbm>>
        %dma_start3A_332 = arith.constant 0 : i32
        %dma_start3A_333 = tpu.memref_slice %arg7[%add3A_312, %dma_start3A_332] : memref<128x129xf32, #tpu.memory_space<vmem>> -> memref<8x128xf32, #tpu.memory_space<vmem>>
        tpu.enqueue_dma source(%dma_start3A_333 : memref<8x128xf32, #tpu.memory_space<vmem>>) target(%dma_start3A_331 : memref<8x128xf32, #tpu.memory_space<hbm>>) target_semaphore(%arg9 : memref<!tpu.dma_semaphore, #tpu.memory_space<semaphore_mem>>)
        %add3A_334 = arith.constant 32 : i32
        %add3A_335 = arith.addi %mul3A_206, %add3A_334 : i32
        %add3A_336 = arith.constant 16 : i32
        %add3A_337 = arith.addi %add3A_335, %add3A_336 : i32
        %mul3A_338 = arith.constant 4 : i32
        %mul3A_339 = arith.muli %add3A_78, %mul3A_338 : i32
        %add3A_340 = arith.constant 2 : i32
        %add3A_341 = arith.addi %mul3A_339, %add3A_340 : i32
        %mul3A_342 = arith.constant 32 : i32
        %mul3A_343 = arith.muli %add3A_341, %mul3A_342 : i32
        %mul3A_344 = arith.constant 2 : i32
        %mul3A_345 = arith.muli %add3A_151, %mul3A_344 : i32
        %add3A_346 = arith.addi %mul3A_343, %mul3A_345 : i32
        %add3A_347 = arith.constant 1 : i32
        %add3A_348 = arith.addi %add3A_346, %add3A_347 : i32
        %mul3A_349 = arith.constant 8 : i32
        %mul3A_350 = arith.muli %add3A_348, %mul3A_349 : i32
        %dma_start3A_351 = arith.constant 0 : i32
        %dma_start3A_352 = tpu.memref_slice %arg7[%add3A_337, %dma_start3A_351] : memref<128x129xf32, #tpu.memory_space<vmem>> -> memref<8x128xf32, #tpu.memory_space<vmem>>
        %dma_start3A_353 = arith.constant 0 : i32
        %dma_start3A_354 = tpu.memref_slice %arg4[%mul3A_350, %dma_start3A_353] : memref<204800x128xf32, #tpu.memory_space<hbm>> -> memref<8x128xf32, #tpu.memory_space<hbm>>
        %dma_start3A_355 = arith.constant 0 : i32
        %dma_start3A_356 = tpu.memref_slice %arg4[%mul3A_350, %dma_start3A_355] : memref<204800x128xf32, #tpu.memory_space<hbm>> -> memref<8x128xf32, #tpu.memory_space<hbm>>
        %dma_start3A_357 = arith.constant 0 : i32
        %dma_start3A_358 = tpu.memref_slice %arg7[%add3A_337, %dma_start3A_357] : memref<128x129xf32, #tpu.memory_space<vmem>> -> memref<8x128xf32, #tpu.memory_space<vmem>>
        tpu.enqueue_dma source(%dma_start3A_358 : memref<8x128xf32, #tpu.memory_space<vmem>>) target(%dma_start3A_356 : memref<8x128xf32, #tpu.memory_space<hbm>>) target_semaphore(%arg9 : memref<!tpu.dma_semaphore, #tpu.memory_space<semaphore_mem>>)
        %add3A_359 = arith.constant 0 : i32
        %add3A_360 = arith.addi %mul3A_206, %add3A_359 : i32
        %add3A_361 = arith.constant 24 : i32
        %add3A_362 = arith.addi %add3A_360, %add3A_361 : i32
        %mul3A_363 = arith.constant 4 : i32
        %mul3A_364 = arith.muli %add3A_78, %mul3A_363 : i32
        %add3A_365 = arith.constant 3 : i32
        %add3A_366 = arith.addi %mul3A_364, %add3A_365 : i32
        %mul3A_367 = arith.constant 32 : i32
        %mul3A_368 = arith.muli %add3A_366, %mul3A_367 : i32
        %mul3A_369 = arith.constant 2 : i32
        %mul3A_370 = arith.muli %add3A_151, %mul3A_369 : i32
        %add3A_371 = arith.addi %mul3A_368, %mul3A_370 : i32
        %add3A_372 = arith.constant 0 : i32
        %add3A_373 = arith.addi %add3A_371, %add3A_372 : i32
        %mul3A_374 = arith.constant 8 : i32
        %mul3A_375 = arith.muli %add3A_373, %mul3A_374 : i32
        %dma_start3A_376 = arith.constant 0 : i32
        %dma_start3A_377 = tpu.memref_slice %arg7[%add3A_362, %dma_start3A_376] : memref<128x129xf32, #tpu.memory_space<vmem>> -> memref<8x128xf32, #tpu.memory_space<vmem>>
        %dma_start3A_378 = arith.constant 0 : i32
        %dma_start3A_379 = tpu.memref_slice %arg4[%mul3A_375, %dma_start3A_378] : memref<204800x128xf32, #tpu.memory_space<hbm>> -> memref<8x128xf32, #tpu.memory_space<hbm>>
        %dma_start3A_380 = arith.constant 0 : i32
        %dma_start3A_381 = tpu.memref_slice %arg4[%mul3A_375, %dma_start3A_380] : memref<204800x128xf32, #tpu.memory_space<hbm>> -> memref<8x128xf32, #tpu.memory_space<hbm>>
        %dma_start3A_382 = arith.constant 0 : i32
        %dma_start3A_383 = tpu.memref_slice %arg7[%add3A_362, %dma_start3A_382] : memref<128x129xf32, #tpu.memory_space<vmem>> -> memref<8x128xf32, #tpu.memory_space<vmem>>
        tpu.enqueue_dma source(%dma_start3A_383 : memref<8x128xf32, #tpu.memory_space<vmem>>) target(%dma_start3A_381 : memref<8x128xf32, #tpu.memory_space<hbm>>) target_semaphore(%arg9 : memref<!tpu.dma_semaphore, #tpu.memory_space<semaphore_mem>>)
        %add3A_384 = arith.constant 32 : i32
        %add3A_385 = arith.addi %mul3A_206, %add3A_384 : i32
        %add3A_386 = arith.constant 24 : i32
        %add3A_387 = arith.addi %add3A_385, %add3A_386 : i32
        %mul3A_388 = arith.constant 4 : i32
        %mul3A_389 = arith.muli %add3A_78, %mul3A_388 : i32
        %add3A_390 = arith.constant 3 : i32
        %add3A_391 = arith.addi %mul3A_389, %add3A_390 : i32
        %mul3A_392 = arith.constant 32 : i32
        %mul3A_393 = arith.muli %add3A_391, %mul3A_392 : i32
        %mul3A_394 = arith.constant 2 : i32
        %mul3A_395 = arith.muli %add3A_151, %mul3A_394 : i32
        %add3A_396 = arith.addi %mul3A_393, %mul3A_395 : i32
        %add3A_397 = arith.constant 1 : i32
        %add3A_398 = arith.addi %add3A_396, %add3A_397 : i32
        %mul3A_399 = arith.constant 8 : i32
        %mul3A_400 = arith.muli %add3A_398, %mul3A_399 : i32
        %dma_start3A_401 = arith.constant 0 : i32
        %dma_start3A_402 = tpu.memref_slice %arg7[%add3A_387, %dma_start3A_401] : memref<128x129xf32, #tpu.memory_space<vmem>> -> memref<8x128xf32, #tpu.memory_space<vmem>>
        %dma_start3A_403 = arith.constant 0 : i32
        %dma_start3A_404 = tpu.memref_slice %arg4[%mul3A_400, %dma_start3A_403] : memref<204800x128xf32, #tpu.memory_space<hbm>> -> memref<8x128xf32, #tpu.memory_space<hbm>>
        %dma_start3A_405 = arith.constant 0 : i32
        %dma_start3A_406 = tpu.memref_slice %arg4[%mul3A_400, %dma_start3A_405] : memref<204800x128xf32, #tpu.memory_space<hbm>> -> memref<8x128xf32, #tpu.memory_space<hbm>>
        %dma_start3A_407 = arith.constant 0 : i32
        %dma_start3A_408 = tpu.memref_slice %arg7[%add3A_387, %dma_start3A_407] : memref<128x129xf32, #tpu.memory_space<vmem>> -> memref<8x128xf32, #tpu.memory_space<vmem>>
        tpu.enqueue_dma source(%dma_start3A_408 : memref<8x128xf32, #tpu.memory_space<vmem>>) target(%dma_start3A_406 : memref<8x128xf32, #tpu.memory_space<hbm>>) target_semaphore(%arg9 : memref<!tpu.dma_semaphore, #tpu.memory_space<semaphore_mem>>)
      }
      %scan3A_123 = arith.constant 16 : i32
      %dma_wait3A = arith.constant 0 : i32
      %dma_wait3A_124 = arith.constant 0 : i32
      %dma_wait3A_125 = tpu.memref_slice %arg7[%dma_wait3A, %dma_wait3A_124] : memref<128x129xf32, #tpu.memory_space<vmem>> -> memref<64x128xf32, #tpu.memory_space<vmem>>
      %dma_wait3A_126 = arith.constant 0 : i32
      %dma_wait3A_127 = arith.constant 0 : i32
      %dma_wait3A_128 = tpu.memref_slice %arg4[%dma_wait3A_126, %dma_wait3A_127] : memref<204800x128xf32, #tpu.memory_space<hbm>> -> memref<64x128xf32, #tpu.memory_space<hbm>>
      %dma_wait3A_129 = arith.constant 0 : i32
      %dma_wait3A_130 = arith.constant 0 : i32
      %dma_wait3A_131 = tpu.memref_slice %arg7[%dma_wait3A_129, %dma_wait3A_130] : memref<128x129xf32, #tpu.memory_space<vmem>> -> memref<64x128xf32, #tpu.memory_space<vmem>>
      %dma_wait3A_132 = arith.constant 0 : i32
      %dma_wait3A_133 = arith.constant 0 : i32
      %dma_wait3A_134 = tpu.memref_slice %arg4[%dma_wait3A_132, %dma_wait3A_133] : memref<204800x128xf32, #tpu.memory_space<hbm>> -> memref<64x128xf32, #tpu.memory_space<hbm>>
      tpu.wait_dma2 semaphore(%arg9 : memref<!tpu.dma_semaphore, #tpu.memory_space<semaphore_mem>>) src(%dma_wait3A_134 : memref<64x128xf32, #tpu.memory_space<hbm>>) dst(%dma_wait3A_131 : memref<64x128xf32, #tpu.memory_space<vmem>>)
      %dma_wait3A_135 = arith.constant 0 : i32
      %dma_wait3A_136 = arith.constant 0 : i32
      %dma_wait3A_137 = tpu.memref_slice %arg7[%dma_wait3A_135, %dma_wait3A_136] : memref<128x129xf32, #tpu.memory_space<vmem>> -> memref<64x128xf32, #tpu.memory_space<vmem>>
      %dma_wait3A_138 = arith.constant 0 : i32
      %dma_wait3A_139 = arith.constant 0 : i32
      %dma_wait3A_140 = tpu.memref_slice %arg4[%dma_wait3A_138, %dma_wait3A_139] : memref<204800x128xf32, #tpu.memory_space<hbm>> -> memref<64x128xf32, #tpu.memory_space<hbm>>
      %dma_wait3A_141 = arith.constant 0 : i32
      %dma_wait3A_142 = arith.constant 0 : i32
      %dma_wait3A_143 = tpu.memref_slice %arg7[%dma_wait3A_141, %dma_wait3A_142] : memref<128x129xf32, #tpu.memory_space<vmem>> -> memref<64x128xf32, #tpu.memory_space<vmem>>
      %dma_wait3A_144 = arith.constant 0 : i32
      %dma_wait3A_145 = arith.constant 0 : i32
      %dma_wait3A_146 = tpu.memref_slice %arg4[%dma_wait3A_144, %dma_wait3A_145] : memref<204800x128xf32, #tpu.memory_space<hbm>> -> memref<64x128xf32, #tpu.memory_space<hbm>>
      tpu.wait_dma2 semaphore(%arg9 : memref<!tpu.dma_semaphore, #tpu.memory_space<semaphore_mem>>) src(%dma_wait3A_146 : memref<64x128xf32, #tpu.memory_space<hbm>>) dst(%dma_wait3A_143 : memref<64x128xf32, #tpu.memory_space<vmem>>)
    }
    %while3A_75 = arith.constant 1 : i32
    scf.for %while3A_76 = %while3A_73 to %while3A_69 step %while3A_75  : i32 {
      %mul3A_77 = arith.muli %while3A_76, %while3A : i32
      %add3A_78 = arith.addi %add3A_4, %mul3A_77 : i32
      %mul3A_79 = arith.constant 32 : i32
      %mul3A_80 = arith.muli %add3A_78, %mul3A_79 : i32
      "tpu.region"() ({
        %run_scoped3A = tpu.sem_alloc : memref<!tpu.dma_semaphore, #tpu.memory_space<semaphore_mem>>
        %dma_start3A_147 = arith.constant 0 : i32
        %dma_start3A_148 = tpu.memref_slice %arg2[%mul3A_80, %dma_start3A_147] : memref<6400x128xi32, #tpu.memory_space<hbm>> -> memref<32x128xi32, #tpu.memory_space<hbm>>
        %dma_start3A_149 = arith.constant 0 : i32
        %dma_start3A_150 = tpu.memref_slice %arg2[%mul3A_80, %dma_start3A_149] : memref<6400x128xi32, #tpu.memory_space<hbm>> -> memref<32x128xi32, #tpu.memory_space<hbm>>
        tpu.enqueue_dma source(%dma_start3A_150 : memref<32x128xi32, #tpu.memory_space<hbm>>) target(%arg5 : memref<32x128xi32, #tpu.memory_space<vmem>>) target_semaphore(%run_scoped3A : memref<!tpu.dma_semaphore, #tpu.memory_space<semaphore_mem>>)
        %dma_wait3A_151 = arith.constant 0 : i32
        %dma_wait3A_152 = tpu.memref_slice %arg2[%mul3A_80, %dma_wait3A_151] : memref<6400x128xi32, #tpu.memory_space<hbm>> -> memref<32x128xi32, #tpu.memory_space<hbm>>
        %dma_wait3A_153 = arith.constant 0 : i32
        %dma_wait3A_154 = tpu.memref_slice %arg2[%mul3A_80, %dma_wait3A_153] : memref<6400x128xi32, #tpu.memory_space<hbm>> -> memref<32x128xi32, #tpu.memory_space<hbm>>
        tpu.wait_dma2 semaphore(%run_scoped3A : memref<!tpu.dma_semaphore, #tpu.memory_space<semaphore_mem>>) src(%dma_wait3A_154 : memref<32x128xi32, #tpu.memory_space<hbm>>) dst(%arg5 : memref<32x128xi32, #tpu.memory_space<vmem>>)
        tpu.yield
      }) : () -> ()
      %dma_start3A = arith.constant 0 : i32
      %dma_start3A_81 = arith.constant 0 : i32
      %dma_start3A_82 = arith.constant 0 : i32
      %dma_start3A_83 = tpu.memref_slice %arg6[%dma_start3A_81, %dma_start3A_82] : memref<768x128xf32, #tpu.memory_space<vmem>> -> memref<128x128xf32, #tpu.memory_space<vmem>>
      %dma_start3A_84 = arith.constant 0 : i32
      %dma_start3A_85 = tpu.memref_slice %arg5[%dma_start3A, %dma_start3A_84] : memref<32x128xi32, #tpu.memory_space<vmem>> -> memref<1x128xi32, #tpu.memory_space<vmem>>
      %dma_start3A_86 = tpu.memref_squeeze %dma_start3A_85 : memref<1x128xi32, #tpu.memory_space<vmem>> -> memref<128xi32, #tpu.memory_space<vmem>>
      %dma_start3A_87 = arith.constant 0 : i32
      %dma_start3A_88 = arith.constant 0 : i32
      %dma_start3A_89 = tpu.memref_slice %arg3[%dma_start3A_87, %dma_start3A_88] : memref<1000000x128xf32, #tpu.memory_space<hbm>> -> memref<1000000x128xf32, #tpu.memory_space<hbm>>
      tpu.enqueue_indirect_dma source(%dma_start3A_89 : memref<1000000x128xf32, #tpu.memory_space<hbm>>) target(%dma_start3A_83 : memref<128x128xf32, #tpu.memory_space<vmem>>) offsets(%dma_start3A_86 : memref<128xi32, #tpu.memory_space<vmem>>) semaphore(%arg8 : memref<!tpu.dma_semaphore, #tpu.memory_space<semaphore_mem>>)
      %dma_start3A_90 = arith.constant 1 : i32
      %dma_start3A_91 = arith.constant 128 : i32
      %dma_start3A_92 = arith.constant 0 : i32
      %dma_start3A_93 = tpu.memref_slice %arg6[%dma_start3A_91, %dma_start3A_92] : memref<768x128xf32, #tpu.memory_space<vmem>> -> memref<128x128xf32, #tpu.memory_space<vmem>>
      %dma_start3A_94 = arith.constant 0 : i32
      %dma_start3A_95 = tpu.memref_slice %arg5[%dma_start3A_90, %dma_start3A_94] : memref<32x128xi32, #tpu.memory_space<vmem>> -> memref<1x128xi32, #tpu.memory_space<vmem>>
      %dma_start3A_96 = tpu.memref_squeeze %dma_start3A_95 : memref<1x128xi32, #tpu.memory_space<vmem>> -> memref<128xi32, #tpu.memory_space<vmem>>
      %dma_start3A_97 = arith.constant 0 : i32
      %dma_start3A_98 = arith.constant 0 : i32
      %dma_start3A_99 = tpu.memref_slice %arg3[%dma_start3A_97, %dma_start3A_98] : memref<1000000x128xf32, #tpu.memory_space<hbm>> -> memref<1000000x128xf32, #tpu.memory_space<hbm>>
      tpu.enqueue_indirect_dma source(%dma_start3A_99 : memref<1000000x128xf32, #tpu.memory_space<hbm>>) target(%dma_start3A_93 : memref<128x128xf32, #tpu.memory_space<vmem>>) offsets(%dma_start3A_96 : memref<128xi32, #tpu.memory_space<vmem>>) semaphore(%arg8 : memref<!tpu.dma_semaphore, #tpu.memory_space<semaphore_mem>>)
      %dma_start3A_100 = arith.constant 2 : i32
      %dma_start3A_101 = arith.constant 256 : i32
      %dma_start3A_102 = arith.constant 0 : i32
      %dma_start3A_103 = tpu.memref_slice %arg6[%dma_start3A_101, %dma_start3A_102] : memref<768x128xf32, #tpu.memory_space<vmem>> -> memref<128x128xf32, #tpu.memory_space<vmem>>
      %dma_start3A_104 = arith.constant 0 : i32
      %dma_start3A_105 = tpu.memref_slice %arg5[%dma_start3A_100, %dma_start3A_104] : memref<32x128xi32, #tpu.memory_space<vmem>> -> memref<1x128xi32, #tpu.memory_space<vmem>>
      %dma_start3A_106 = tpu.memref_squeeze %dma_start3A_105 : memref<1x128xi32, #tpu.memory_space<vmem>> -> memref<128xi32, #tpu.memory_space<vmem>>
      %dma_start3A_107 = arith.constant 0 : i32
      %dma_start3A_108 = arith.constant 0 : i32
      %dma_start3A_109 = tpu.memref_slice %arg3[%dma_start3A_107, %dma_start3A_108] : memref<1000000x128xf32, #tpu.memory_space<hbm>> -> memref<1000000x128xf32, #tpu.memory_space<hbm>>
      tpu.enqueue_indirect_dma source(%dma_start3A_109 : memref<1000000x128xf32, #tpu.memory_space<hbm>>) target(%dma_start3A_103 : memref<128x128xf32, #tpu.memory_space<vmem>>) offsets(%dma_start3A_106 : memref<128xi32, #tpu.memory_space<vmem>>) semaphore(%arg8 : memref<!tpu.dma_semaphore, #tpu.memory_space<semaphore_mem>>)
      %dma_start3A_110 = arith.constant 3 : i32
      %dma_start3A_111 = arith.constant 384 : i32
      %dma_start3A_112 = arith.constant 0 : i32
      %dma_start3A_113 = tpu.memref_slice %arg6[%dma_start3A_111, %dma_start3A_112] : memref<768x128xf32, #tpu.memory_space<vmem>> -> memref<128x128xf32, #tpu.memory_space<vmem>>
      %dma_start3A_114 = arith.constant 0 : i32
      %dma_start3A_115 = tpu.memref_slice %arg5[%dma_start3A_110, %dma_start3A_114] : memref<32x128xi32, #tpu.memory_space<vmem>> -> memref<1x128xi32, #tpu.memory_space<vmem>>
      %dma_start3A_116 = tpu.memref_squeeze %dma_start3A_115 : memref<1x128xi32, #tpu.memory_space<vmem>> -> memref<128xi32, #tpu.memory_space<vmem>>
      %dma_start3A_117 = arith.constant 0 : i32
      %dma_start3A_118 = arith.constant 0 : i32
      %dma_start3A_119 = tpu.memref_slice %arg3[%dma_start3A_117, %dma_start3A_118] : memref<1000000x128xf32, #tpu.memory_space<hbm>> -> memref<1000000x128xf32, #tpu.memory_space<hbm>>
      tpu.enqueue_indirect_dma source(%dma_start3A_119 : memref<1000000x128xf32, #tpu.memory_space<hbm>>) target(%dma_start3A_113 : memref<128x128xf32, #tpu.memory_space<vmem>>) offsets(%dma_start3A_116 : memref<128xi32, #tpu.memory_space<vmem>>) semaphore(%arg8 : memref<!tpu.dma_semaphore, #tpu.memory_space<semaphore_mem>>)
      %scan3A = arith.constant 0 : i32
      %scan3A_120 = arith.constant 16 : i32
      %scan3A_121 = arith.addi %scan3A, %scan3A_120 : i32
      %scan3A_122 = arith.constant 1 : i32
      scf.for %scan3A_147 = %scan3A to %scan3A_121 step %scan3A_122  : i32 {
        %mul3A_148 = arith.constant 1 : i32
        %mul3A_149 = arith.muli %scan3A_147, %mul3A_148 : i32
        %add3A_150 = arith.constant 0 : i32
        %add3A_151 = arith.addi %add3A_150, %mul3A_149 : i32
        %dma_wait3A_152 = arith.constant 0 : i32
        %dma_wait3A_153 = arith.constant 0 : i32
        %dma_wait3A_154 = tpu.memref_slice %arg6[%dma_wait3A_152, %dma_wait3A_153] : memref<768x128xf32, #tpu.memory_space<vmem>> -> memref<256x128xf32, #tpu.memory_space<vmem>>
        %dma_wait3A_155 = arith.constant 0 : i32
        %dma_wait3A_156 = arith.constant 0 : i32
        %dma_wait3A_157 = tpu.memref_slice %arg3[%dma_wait3A_155, %dma_wait3A_156] : memref<1000000x128xf32, #tpu.memory_space<hbm>> -> memref<256x128xf32, #tpu.memory_space<hbm>>
        %dma_wait3A_158 = arith.constant 0 : i32
        %dma_wait3A_159 = arith.constant 0 : i32
        %dma_wait3A_160 = tpu.memref_slice %arg6[%dma_wait3A_158, %dma_wait3A_159] : memref<768x128xf32, #tpu.memory_space<vmem>> -> memref<256x128xf32, #tpu.memory_space<vmem>>
        %dma_wait3A_161 = arith.constant 0 : i32
        %dma_wait3A_162 = arith.constant 0 : i32
        %dma_wait3A_163 = tpu.memref_slice %arg3[%dma_wait3A_161, %dma_wait3A_162] : memref<1000000x128xf32, #tpu.memory_space<hbm>> -> memref<256x128xf32, #tpu.memory_space<hbm>>
        tpu.wait_dma2 semaphore(%arg8 : memref<!tpu.dma_semaphore, #tpu.memory_space<semaphore_mem>>) src(%dma_wait3A_163 : memref<256x128xf32, #tpu.memory_space<hbm>>) dst(%dma_wait3A_160 : memref<256x128xf32, #tpu.memory_space<vmem>>)
        %lt3A_164 = arith.constant 14 : i32
        %lt3A_165 = arith.cmpi slt, %add3A_151, %lt3A_164 : i32
        %convert_element_type3A = arith.extui %lt3A_165 : i1 to i32
        %cond3A = arith.constant 0 : i32
        %cond3A_166 = arith.cmpi ne, %convert_element_type3A, %cond3A : i32
        scf.if %cond3A_166 {
          %add3A_409 = arith.constant 2 : i32
          %add3A_410 = arith.addi %add3A_151, %add3A_409 : i32
          %jit3A_411 = arith.constant 3 : i32
          %eq3A_412 = arith.constant 0 : i32
          %eq3A_413 = arith.cmpi eq, %jit3A_411, %eq3A_412 : i32
          %jit3A_414 = arith.constant 1 : i32
          %select_n3A_415 = arith.select %eq3A_413, %jit3A_414, %jit3A_411 : i32
          %rem3A_416 = arith.remsi %add3A_410, %select_n3A_415 : i32
          %ne3A_417 = arith.constant 0 : i32
          %ne3A_418 = arith.cmpi ne, %rem3A_416, %ne3A_417 : i32
          %lt3A_419 = arith.constant 0 : i32
          %lt3A_420 = arith.cmpi slt, %rem3A_416, %lt3A_419 : i32
          %lt3A_421 = arith.constant 0 : i32
          %lt3A_422 = arith.cmpi slt, %select_n3A_415, %lt3A_421 : i32
          %ne3A_423 = arith.xori %lt3A_420, %lt3A_422 : i1
          %and3A_424 = arith.andi %ne3A_423, %ne3A_418 : i1
          %add3A_425 = arith.addi %rem3A_416, %select_n3A_415 : i32
          %select_n3A_426 = arith.select %and3A_424, %add3A_425, %rem3A_416 : i32
          %mul3A_427 = arith.constant 256 : i32
          %mul3A_428 = arith.muli %select_n3A_426, %mul3A_427 : i32
          %mul3A_429 = arith.constant 2 : i32
          %mul3A_430 = arith.muli %add3A_410, %mul3A_429 : i32
          %add3A_431 = arith.constant 0 : i32
          %add3A_432 = arith.addi %mul3A_430, %add3A_431 : i32
          %add3A_433 = arith.constant 0 : i32
          %add3A_434 = arith.addi %mul3A_428, %add3A_433 : i32
          %dma_start3A_435 = arith.constant 0 : i32
          %dma_start3A_436 = tpu.memref_slice %arg6[%add3A_434, %dma_start3A_435] : memref<768x128xf32, #tpu.memory_space<vmem>> -> memref<128x128xf32, #tpu.memory_space<vmem>>
          %dma_start3A_437 = arith.constant 0 : i32
          %dma_start3A_438 = tpu.memref_slice %arg5[%add3A_432, %dma_start3A_437] : memref<32x128xi32, #tpu.memory_space<vmem>> -> memref<1x128xi32, #tpu.memory_space<vmem>>
          %dma_start3A_439 = tpu.memref_squeeze %dma_start3A_438 : memref<1x128xi32, #tpu.memory_space<vmem>> -> memref<128xi32, #tpu.memory_space<vmem>>
          %dma_start3A_440 = arith.constant 0 : i32
          %dma_start3A_441 = arith.constant 0 : i32
          %dma_start3A_442 = tpu.memref_slice %arg3[%dma_start3A_440, %dma_start3A_441] : memref<1000000x128xf32, #tpu.memory_space<hbm>> -> memref<1000000x128xf32, #tpu.memory_space<hbm>>
          tpu.enqueue_indirect_dma source(%dma_start3A_442 : memref<1000000x128xf32, #tpu.memory_space<hbm>>) target(%dma_start3A_436 : memref<128x128xf32, #tpu.memory_space<vmem>>) offsets(%dma_start3A_439 : memref<128xi32, #tpu.memory_space<vmem>>) semaphore(%arg8 : memref<!tpu.dma_semaphore, #tpu.memory_space<semaphore_mem>>)
          %mul3A_443 = arith.constant 2 : i32
          %mul3A_444 = arith.muli %add3A_410, %mul3A_443 : i32
          %add3A_445 = arith.constant 1 : i32
          %add3A_446 = arith.addi %mul3A_444, %add3A_445 : i32
          %add3A_447 = arith.constant 128 : i32
          %add3A_448 = arith.addi %mul3A_428, %add3A_447 : i32
          %dma_start3A_449 = arith.constant 0 : i32
          %dma_start3A_450 = tpu.memref_slice %arg6[%add3A_448, %dma_start3A_449] : memref<768x128xf32, #tpu.memory_space<vmem>> -> memref<128x128xf32, #tpu.memory_space<vmem>>
          %dma_start3A_451 = arith.constant 0 : i32
          %dma_start3A_452 = tpu.memref_slice %arg5[%add3A_446, %dma_start3A_451] : memref<32x128xi32, #tpu.memory_space<vmem>> -> memref<1x128xi32, #tpu.memory_space<vmem>>
          %dma_start3A_453 = tpu.memref_squeeze %dma_start3A_452 : memref<1x128xi32, #tpu.memory_space<vmem>> -> memref<128xi32, #tpu.memory_space<vmem>>
          %dma_start3A_454 = arith.constant 0 : i32
          %dma_start3A_455 = arith.constant 0 : i32
          %dma_start3A_456 = tpu.memref_slice %arg3[%dma_start3A_454, %dma_start3A_455] : memref<1000000x128xf32, #tpu.memory_space<hbm>> -> memref<1000000x128xf32, #tpu.memory_space<hbm>>
          tpu.enqueue_indirect_dma source(%dma_start3A_456 : memref<1000000x128xf32, #tpu.memory_space<hbm>>) target(%dma_start3A_450 : memref<128x128xf32, #tpu.memory_space<vmem>>) offsets(%dma_start3A_453 : memref<128xi32, #tpu.memory_space<vmem>>) semaphore(%arg8 : memref<!tpu.dma_semaphore, #tpu.memory_space<semaphore_mem>>)
        } else {
        }
        %gt3A = arith.constant 1 : i32
        %gt3A_167 = arith.cmpi sgt, %add3A_151, %gt3A : i32
        %convert_element_type3A_168 = arith.extui %gt3A_167 : i1 to i32
        %cond3A_169 = arith.constant 0 : i32
        %cond3A_170 = arith.cmpi ne, %convert_element_type3A_168, %cond3A_169 : i32
        scf.if %cond3A_170 {
          %dma_wait3A_409 = arith.constant 0 : i32
          %dma_wait3A_410 = arith.constant 0 : i32
          %dma_wait3A_411 = tpu.memref_slice %arg7[%dma_wait3A_409, %dma_wait3A_410] : memref<128x129xf32, #tpu.memory_space<vmem>> -> memref<64x128xf32, #tpu.memory_space<vmem>>
          %dma_wait3A_412 = arith.constant 0 : i32
          %dma_wait3A_413 = arith.constant 0 : i32
          %dma_wait3A_414 = tpu.memref_slice %arg4[%dma_wait3A_412, %dma_wait3A_413] : memref<204800x128xf32, #tpu.memory_space<hbm>> -> memref<64x128xf32, #tpu.memory_space<hbm>>
          %dma_wait3A_415 = arith.constant 0 : i32
          %dma_wait3A_416 = arith.constant 0 : i32
          %dma_wait3A_417 = tpu.memref_slice %arg7[%dma_wait3A_415, %dma_wait3A_416] : memref<128x129xf32, #tpu.memory_space<vmem>> -> memref<64x128xf32, #tpu.memory_space<vmem>>
          %dma_wait3A_418 = arith.constant 0 : i32
          %dma_wait3A_419 = arith.constant 0 : i32
          %dma_wait3A_420 = tpu.memref_slice %arg4[%dma_wait3A_418, %dma_wait3A_419] : memref<204800x128xf32, #tpu.memory_space<hbm>> -> memref<64x128xf32, #tpu.memory_space<hbm>>
          tpu.wait_dma2 semaphore(%arg9 : memref<!tpu.dma_semaphore, #tpu.memory_space<semaphore_mem>>) src(%dma_wait3A_420 : memref<64x128xf32, #tpu.memory_space<hbm>>) dst(%dma_wait3A_417 : memref<64x128xf32, #tpu.memory_space<vmem>>)
        } else {
        }
        %jit3A_171 = arith.constant 3 : i32
        %eq3A_172 = arith.constant 0 : i32
        %eq3A_173 = arith.cmpi eq, %jit3A_171, %eq3A_172 : i32
        %jit3A_174 = arith.constant 1 : i32
        %select_n3A_175 = arith.select %eq3A_173, %jit3A_174, %jit3A_171 : i32
        %rem3A_176 = arith.remsi %add3A_151, %select_n3A_175 : i32
        %ne3A_177 = arith.constant 0 : i32
        %ne3A_178 = arith.cmpi ne, %rem3A_176, %ne3A_177 : i32
        %lt3A_179 = arith.constant 0 : i32
        %lt3A_180 = arith.cmpi slt, %rem3A_176, %lt3A_179 : i32
        %lt3A_181 = arith.constant 0 : i32
        %lt3A_182 = arith.cmpi slt, %select_n3A_175, %lt3A_181 : i32
        %ne3A_183 = arith.xori %lt3A_180, %lt3A_182 : i1
        %and3A_184 = arith.andi %ne3A_183, %ne3A_178 : i1
        %add3A_185 = arith.addi %rem3A_176, %select_n3A_175 : i32
        %select_n3A_186 = arith.select %and3A_184, %add3A_185, %rem3A_176 : i32
        %mul3A_187 = arith.constant 256 : i32
        %mul3A_188 = arith.muli %select_n3A_186, %mul3A_187 : i32
        %jit3A_189 = arith.constant 2 : i32
        %eq3A_190 = arith.constant 0 : i32
        %eq3A_191 = arith.cmpi eq, %jit3A_189, %eq3A_190 : i32
        %jit3A_192 = arith.constant 1 : i32
        %select_n3A_193 = arith.select %eq3A_191, %jit3A_192, %jit3A_189 : i32
        %rem3A_194 = arith.remsi %add3A_151, %select_n3A_193 : i32
        %ne3A_195 = arith.constant 0 : i32
        %ne3A_196 = arith.cmpi ne, %rem3A_194, %ne3A_195 : i32
        %lt3A_197 = arith.constant 0 : i32
        %lt3A_198 = arith.cmpi slt, %rem3A_194, %lt3A_197 : i32
        %lt3A_199 = arith.constant 0 : i32
        %lt3A_200 = arith.cmpi slt, %select_n3A_193, %lt3A_199 : i32
        %ne3A_201 = arith.xori %lt3A_198, %lt3A_200 : i1
        %and3A_202 = arith.andi %ne3A_201, %ne3A_196 : i1
        %add3A_203 = arith.addi %rem3A_194, %select_n3A_193 : i32
        %select_n3A_204 = arith.select %and3A_202, %add3A_203, %rem3A_194 : i32
        %mul3A_205 = arith.constant 64 : i32
        %mul3A_206 = arith.muli %select_n3A_204, %mul3A_205 : i32
        %parallel_loop3A = arith.constant 0 : i32
        %parallel_loop3A_207 = arith.constant 16 : i32
        %parallel_loop3A_208 = arith.constant 1 : i32
        scf.for %parallel_loop3A_409 = %parallel_loop3A to %parallel_loop3A_207 step %parallel_loop3A_208  : i32 {
          %parallel_loop3A_410 = arith.constant 8 : i32
          %parallel_loop3A_411 = arith.divsi %parallel_loop3A_409, %parallel_loop3A_410 : i32
          %parallel_loop3A_412 = arith.constant 0 : i32
          %parallel_loop3A_413 = arith.cmpi sgt, %parallel_loop3A_409, %parallel_loop3A_412 : i32
          %parallel_loop3A_414 = arith.extui %parallel_loop3A_413 : i1 to i32
          %parallel_loop3A_415 = arith.constant 0 : i32
          %parallel_loop3A_416 = arith.cmpi slt, %parallel_loop3A_409, %parallel_loop3A_415 : i32
          %parallel_loop3A_417 = arith.extui %parallel_loop3A_416 : i1 to i32
          %parallel_loop3A_418 = arith.subi %parallel_loop3A_414, %parallel_loop3A_417 : i32
          %parallel_loop3A_419 = arith.constant 0 : i32
          %parallel_loop3A_420 = arith.cmpi sgt, %parallel_loop3A_410, %parallel_loop3A_419 : i32
          %parallel_loop3A_421 = arith.extui %parallel_loop3A_420 : i1 to i32
          %parallel_loop3A_422 = arith.constant 0 : i32
          %parallel_loop3A_423 = arith.cmpi slt, %parallel_loop3A_410, %parallel_loop3A_422 : i32
          %parallel_loop3A_424 = arith.extui %parallel_loop3A_423 : i1 to i32
          %parallel_loop3A_425 = arith.subi %parallel_loop3A_421, %parallel_loop3A_424 : i32
          %parallel_loop3A_426 = arith.cmpi ne, %parallel_loop3A_418, %parallel_loop3A_425 : i32
          %parallel_loop3A_427 = arith.remsi %parallel_loop3A_409, %parallel_loop3A_410 : i32
          %parallel_loop3A_428 = arith.constant 0 : i32
          %parallel_loop3A_429 = arith.cmpi ne, %parallel_loop3A_427, %parallel_loop3A_428 : i32
          %parallel_loop3A_430 = arith.andi %parallel_loop3A_426, %parallel_loop3A_429 : i1
          %parallel_loop3A_431 = arith.constant 1 : i32
          %parallel_loop3A_432 = arith.subi %parallel_loop3A_411, %parallel_loop3A_431 : i32
          %parallel_loop3A_433 = arith.select %parallel_loop3A_430, %parallel_loop3A_432, %parallel_loop3A_411 : i32
          %parallel_loop3A_434 = arith.constant 8 : i32
          %parallel_loop3A_435 = arith.constant 0 : i32
          %parallel_loop3A_436 = arith.cmpi eq, %parallel_loop3A_434, %parallel_loop3A_435 : i32
          %parallel_loop3A_437 = arith.constant 1 : i32
          %parallel_loop3A_438 = arith.select %parallel_loop3A_436, %parallel_loop3A_437, %parallel_loop3A_434 : i32
          %parallel_loop3A_439 = arith.remsi %parallel_loop3A_409, %parallel_loop3A_438 : i32
          %parallel_loop3A_440 = arith.constant 0 : i32
          %parallel_loop3A_441 = arith.cmpi ne, %parallel_loop3A_439, %parallel_loop3A_440 : i32
          %parallel_loop3A_442 = arith.constant 0 : i32
          %parallel_loop3A_443 = arith.cmpi slt, %parallel_loop3A_439, %parallel_loop3A_442 : i32
          %parallel_loop3A_444 = arith.constant 0 : i32
          %parallel_loop3A_445 = arith.cmpi slt, %parallel_loop3A_438, %parallel_loop3A_444 : i32
          %parallel_loop3A_446 = arith.xori %parallel_loop3A_443, %parallel_loop3A_445 : i1
          %parallel_loop3A_447 = arith.andi %parallel_loop3A_446, %parallel_loop3A_441 : i1
          %parallel_loop3A_448 = arith.addi %parallel_loop3A_439, %parallel_loop3A_438 : i32
          %parallel_loop3A_449 = arith.select %parallel_loop3A_447, %parallel_loop3A_448, %parallel_loop3A_439 : i32
          %parallel_loop3A_450 = arith.constant 16 : i32
          %parallel_loop3A_451 = arith.muli %parallel_loop3A_449, %parallel_loop3A_450 : i32
          %parallel_loop3A_452 = arith.constant 32 : i32
          %parallel_loop3A_453 = arith.muli %parallel_loop3A_433, %parallel_loop3A_452 : i32
          %parallel_loop3A_454 = arith.addi %mul3A_206, %parallel_loop3A_453 : i32
          %parallel_loop3A_455 = vector.broadcast %parallel_loop3A_454 : i32 to vector<16xi32>
          %parallel_loop3A_456 = arith.addi %parallel_loop3A_455, %iota3A : vector<16xi32>
          %parallel_loop3A_457 = arith.constant 16 : i32
          %parallel_loop3A_458 = vector.broadcast %parallel_loop3A_457 : i32 to vector<16xi32>
          %parallel_loop3A_459 = arith.addi %parallel_loop3A_456, %parallel_loop3A_458 : vector<16xi32>
          %parallel_loop3A_460 = arith.constant 16 : i32
          %parallel_loop3A_461 = arith.muli %parallel_loop3A_409, %parallel_loop3A_460 : i32
          %parallel_loop3A_462 = arith.addi %mul3A_188, %parallel_loop3A_461 : i32
          %parallel_loop3A_463 = arith.constant 0 : i32
          %parallel_loop3A_464 = arith.addi %parallel_loop3A_462, %parallel_loop3A_463 : i32
          %parallel_loop3A_465 = arith.index_cast %parallel_loop3A_464 : i32 to index
          %parallel_loop3A_466 = arith.constant 0 : index
          %parallel_loop3A_467 = tpu.vector_load %arg6[%parallel_loop3A_465, %parallel_loop3A_466] {strides = array<i32>} : memref<768x128xf32, #tpu.memory_space<vmem>>, vector<16xf32>,
          %parallel_loop3A_468 = arith.constant 16 : i32
          %parallel_loop3A_469 = arith.muli %parallel_loop3A_409, %parallel_loop3A_468 : i32
          %parallel_loop3A_470 = arith.addi %mul3A_188, %parallel_loop3A_469 : i32
          %parallel_loop3A_471 = arith.constant 0 : i32
          %parallel_loop3A_472 = arith.addi %parallel_loop3A_470, %parallel_loop3A_471 : i32
          %parallel_loop3A_473 = arith.index_cast %parallel_loop3A_472 : i32 to index
          %parallel_loop3A_474 = arith.constant 16 : index
          %parallel_loop3A_475 = tpu.vector_load %arg6[%parallel_loop3A_473, %parallel_loop3A_474] {strides = array<i32>} : memref<768x128xf32, #tpu.memory_space<vmem>>, vector<16xf32>,
          %parallel_loop3A_476 = arith.constant 16 : i32
          %parallel_loop3A_477 = arith.muli %parallel_loop3A_409, %parallel_loop3A_476 : i32
          %parallel_loop3A_478 = arith.addi %mul3A_188, %parallel_loop3A_477 : i32
          %parallel_loop3A_479 = arith.constant 1 : i32
          %parallel_loop3A_480 = arith.addi %parallel_loop3A_478, %parallel_loop3A_479 : i32
          %parallel_loop3A_481 = arith.index_cast %parallel_loop3A_480 : i32 to index
          %parallel_loop3A_482 = arith.constant 0 : index
          %parallel_loop3A_483 = tpu.vector_load %arg6[%parallel_loop3A_481, %parallel_loop3A_482] {strides = array<i32>} : memref<768x128xf32, #tpu.memory_space<vmem>>, vector<16xf32>,
          %parallel_loop3A_484 = arith.constant 16 : i32
          %parallel_loop3A_485 = arith.muli %parallel_loop3A_409, %parallel_loop3A_484 : i32
          %parallel_loop3A_486 = arith.addi %mul3A_188, %parallel_loop3A_485 : i32
          %parallel_loop3A_487 = arith.constant 1 : i32
          %parallel_loop3A_488 = arith.addi %parallel_loop3A_486, %parallel_loop3A_487 : i32
          %parallel_loop3A_489 = arith.index_cast %parallel_loop3A_488 : i32 to index
          %parallel_loop3A_490 = arith.constant 16 : index
          %parallel_loop3A_491 = tpu.vector_load %arg6[%parallel_loop3A_489, %parallel_loop3A_490] {strides = array<i32>} : memref<768x128xf32, #tpu.memory_space<vmem>>, vector<16xf32>,
          %parallel_loop3A_492 = arith.constant 16 : i32
          %parallel_loop3A_493 = arith.muli %parallel_loop3A_409, %parallel_loop3A_492 : i32
          %parallel_loop3A_494 = arith.addi %mul3A_188, %parallel_loop3A_493 : i32
          %parallel_loop3A_495 = arith.constant 2 : i32
          %parallel_loop3A_496 = arith.addi %parallel_loop3A_494, %parallel_loop3A_495 : i32
          %parallel_loop3A_497 = arith.index_cast %parallel_loop3A_496 : i32 to index
          %parallel_loop3A_498 = arith.constant 0 : index
          %parallel_loop3A_499 = tpu.vector_load %arg6[%parallel_loop3A_497, %parallel_loop3A_498] {strides = array<i32>} : memref<768x128xf32, #tpu.memory_space<vmem>>, vector<16xf32>,
          %parallel_loop3A_500 = arith.constant 16 : i32
          %parallel_loop3A_501 = arith.muli %parallel_loop3A_409, %parallel_loop3A_500 : i32
          %parallel_loop3A_502 = arith.addi %mul3A_188, %parallel_loop3A_501 : i32
          %parallel_loop3A_503 = arith.constant 2 : i32
          %parallel_loop3A_504 = arith.addi %parallel_loop3A_502, %parallel_loop3A_503 : i32
          %parallel_loop3A_505 = arith.index_cast %parallel_loop3A_504 : i32 to index
          %parallel_loop3A_506 = arith.constant 16 : index
          %parallel_loop3A_507 = tpu.vector_load %arg6[%parallel_loop3A_505, %parallel_loop3A_506] {strides = array<i32>} : memref<768x128xf32, #tpu.memory_space<vmem>>, vector<16xf32>,
          %parallel_loop3A_508 = arith.constant 16 : i32
          %parallel_loop3A_509 = arith.muli %parallel_loop3A_409, %parallel_loop3A_508 : i32
          %parallel_loop3A_510 = arith.addi %mul3A_188, %parallel_loop3A_509 : i32
          %parallel_loop3A_511 = arith.constant 3 : i32
          %parallel_loop3A_512 = arith.addi %parallel_loop3A_510, %parallel_loop3A_511 : i32
          %parallel_loop3A_513 = arith.index_cast %parallel_loop3A_512 : i32 to index
          %parallel_loop3A_514 = arith.constant 0 : index
          %parallel_loop3A_515 = tpu.vector_load %arg6[%parallel_loop3A_513, %parallel_loop3A_514] {strides = array<i32>} : memref<768x128xf32, #tpu.memory_space<vmem>>, vector<16xf32>,
          %parallel_loop3A_516 = arith.constant 16 : i32
          %parallel_loop3A_517 = arith.muli %parallel_loop3A_409, %parallel_loop3A_516 : i32
          %parallel_loop3A_518 = arith.addi %mul3A_188, %parallel_loop3A_517 : i32
          %parallel_loop3A_519 = arith.constant 3 : i32
          %parallel_loop3A_520 = arith.addi %parallel_loop3A_518, %parallel_loop3A_519 : i32
          %parallel_loop3A_521 = arith.index_cast %parallel_loop3A_520 : i32 to index
          %parallel_loop3A_522 = arith.constant 16 : index
          %parallel_loop3A_523 = tpu.vector_load %arg6[%parallel_loop3A_521, %parallel_loop3A_522] {strides = array<i32>} : memref<768x128xf32, #tpu.memory_space<vmem>>, vector<16xf32>,
          %parallel_loop3A_524 = arith.constant 16 : i32
          %parallel_loop3A_525 = arith.muli %parallel_loop3A_409, %parallel_loop3A_524 : i32
          %parallel_loop3A_526 = arith.addi %mul3A_188, %parallel_loop3A_525 : i32
          %parallel_loop3A_527 = arith.constant 4 : i32
          %parallel_loop3A_528 = arith.addi %parallel_loop3A_526, %parallel_loop3A_527 : i32
          %parallel_loop3A_529 = arith.index_cast %parallel_loop3A_528 : i32 to index
          %parallel_loop3A_530 = arith.constant 0 : index
          %parallel_loop3A_531 = tpu.vector_load %arg6[%parallel_loop3A_529, %parallel_loop3A_530] {strides = array<i32>} : memref<768x128xf32, #tpu.memory_space<vmem>>, vector<16xf32>,
          %parallel_loop3A_532 = arith.constant 16 : i32
          %parallel_loop3A_533 = arith.muli %parallel_loop3A_409, %parallel_loop3A_532 : i32
          %parallel_loop3A_534 = arith.addi %mul3A_188, %parallel_loop3A_533 : i32
          %parallel_loop3A_535 = arith.constant 4 : i32
          %parallel_loop3A_536 = arith.addi %parallel_loop3A_534, %parallel_loop3A_535 : i32
          %parallel_loop3A_537 = arith.index_cast %parallel_loop3A_536 : i32 to index
          %parallel_loop3A_538 = arith.constant 16 : index
          %parallel_loop3A_539 = tpu.vector_load %arg6[%parallel_loop3A_537, %parallel_loop3A_538] {strides = array<i32>} : memref<768x128xf32, #tpu.memory_space<vmem>>, vector<16xf32>,
          %parallel_loop3A_540 = arith.constant 16 : i32
          %parallel_loop3A_541 = arith.muli %parallel_loop3A_409, %parallel_loop3A_540 : i32
          %parallel_loop3A_542 = arith.addi %mul3A_188, %parallel_loop3A_541 : i32
          %parallel_loop3A_543 = arith.constant 5 : i32
          %parallel_loop3A_544 = arith.addi %parallel_loop3A_542, %parallel_loop3A_543 : i32
          %parallel_loop3A_545 = arith.index_cast %parallel_loop3A_544 : i32 to index
          %parallel_loop3A_546 = arith.constant 0 : index
          %parallel_loop3A_547 = tpu.vector_load %arg6[%parallel_loop3A_545, %parallel_loop3A_546] {strides = array<i32>} : memref<768x128xf32, #tpu.memory_space<vmem>>, vector<16xf32>,
          %parallel_loop3A_548 = arith.constant 16 : i32
          %parallel_loop3A_549 = arith.muli %parallel_loop3A_409, %parallel_loop3A_548 : i32
          %parallel_loop3A_550 = arith.addi %mul3A_188, %parallel_loop3A_549 : i32
          %parallel_loop3A_551 = arith.constant 5 : i32
          %parallel_loop3A_552 = arith.addi %parallel_loop3A_550, %parallel_loop3A_551 : i32
          %parallel_loop3A_553 = arith.index_cast %parallel_loop3A_552 : i32 to index
          %parallel_loop3A_554 = arith.constant 16 : index
          %parallel_loop3A_555 = tpu.vector_load %arg6[%parallel_loop3A_553, %parallel_loop3A_554] {strides = array<i32>} : memref<768x128xf32, #tpu.memory_space<vmem>>, vector<16xf32>,
          %parallel_loop3A_556 = arith.constant 16 : i32
          %parallel_loop3A_557 = arith.muli %parallel_loop3A_409, %parallel_loop3A_556 : i32
          %parallel_loop3A_558 = arith.addi %mul3A_188, %parallel_loop3A_557 : i32
          %parallel_loop3A_559 = arith.constant 6 : i32
          %parallel_loop3A_560 = arith.addi %parallel_loop3A_558, %parallel_loop3A_559 : i32
          %parallel_loop3A_561 = arith.index_cast %parallel_loop3A_560 : i32 to index
          %parallel_loop3A_562 = arith.constant 0 : index
          %parallel_loop3A_563 = tpu.vector_load %arg6[%parallel_loop3A_561, %parallel_loop3A_562] {strides = array<i32>} : memref<768x128xf32, #tpu.memory_space<vmem>>, vector<16xf32>,
          %parallel_loop3A_564 = arith.constant 16 : i32
          %parallel_loop3A_565 = arith.muli %parallel_loop3A_409, %parallel_loop3A_564 : i32
          %parallel_loop3A_566 = arith.addi %mul3A_188, %parallel_loop3A_565 : i32
          %parallel_loop3A_567 = arith.constant 6 : i32
          %parallel_loop3A_568 = arith.addi %parallel_loop3A_566, %parallel_loop3A_567 : i32
          %parallel_loop3A_569 = arith.index_cast %parallel_loop3A_568 : i32 to index
          %parallel_loop3A_570 = arith.constant 16 : index
          %parallel_loop3A_571 = tpu.vector_load %arg6[%parallel_loop3A_569, %parallel_loop3A_570] {strides = array<i32>} : memref<768x128xf32, #tpu.memory_space<vmem>>, vector<16xf32>,
          %parallel_loop3A_572 = arith.constant 16 : i32
          %parallel_loop3A_573 = arith.muli %parallel_loop3A_409, %parallel_loop3A_572 : i32
          %parallel_loop3A_574 = arith.addi %mul3A_188, %parallel_loop3A_573 : i32
          %parallel_loop3A_575 = arith.constant 7 : i32
          %parallel_loop3A_576 = arith.addi %parallel_loop3A_574, %parallel_loop3A_575 : i32
          %parallel_loop3A_577 = arith.index_cast %parallel_loop3A_576 : i32 to index
          %parallel_loop3A_578 = arith.constant 0 : index
          %parallel_loop3A_579 = tpu.vector_load %arg6[%parallel_loop3A_577, %parallel_loop3A_578] {strides = array<i32>} : memref<768x128xf32, #tpu.memory_space<vmem>>, vector<16xf32>,
          %parallel_loop3A_580 = arith.constant 16 : i32
          %parallel_loop3A_581 = arith.muli %parallel_loop3A_409, %parallel_loop3A_580 : i32
          %parallel_loop3A_582 = arith.addi %mul3A_188, %parallel_loop3A_581 : i32
          %parallel_loop3A_583 = arith.constant 7 : i32
          %parallel_loop3A_584 = arith.addi %parallel_loop3A_582, %parallel_loop3A_583 : i32
          %parallel_loop3A_585 = arith.index_cast %parallel_loop3A_584 : i32 to index
          %parallel_loop3A_586 = arith.constant 16 : index
          %parallel_loop3A_587 = tpu.vector_load %arg6[%parallel_loop3A_585, %parallel_loop3A_586] {strides = array<i32>} : memref<768x128xf32, #tpu.memory_space<vmem>>, vector<16xf32>,
          %parallel_loop3A_588 = arith.constant 16 : i32
          %parallel_loop3A_589 = arith.muli %parallel_loop3A_409, %parallel_loop3A_588 : i32
          %parallel_loop3A_590 = arith.addi %mul3A_188, %parallel_loop3A_589 : i32
          %parallel_loop3A_591 = arith.constant 8 : i32
          %parallel_loop3A_592 = arith.addi %parallel_loop3A_590, %parallel_loop3A_591 : i32
          %parallel_loop3A_593 = arith.index_cast %parallel_loop3A_592 : i32 to index
          %parallel_loop3A_594 = arith.constant 0 : index
          %parallel_loop3A_595 = tpu.vector_load %arg6[%parallel_loop3A_593, %parallel_loop3A_594] {strides = array<i32>} : memref<768x128xf32, #tpu.memory_space<vmem>>, vector<16xf32>,
          %parallel_loop3A_596 = arith.constant 16 : i32
          %parallel_loop3A_597 = arith.muli %parallel_loop3A_409, %parallel_loop3A_596 : i32
          %parallel_loop3A_598 = arith.addi %mul3A_188, %parallel_loop3A_597 : i32
          %parallel_loop3A_599 = arith.constant 8 : i32
          %parallel_loop3A_600 = arith.addi %parallel_loop3A_598, %parallel_loop3A_599 : i32
          %parallel_loop3A_601 = arith.index_cast %parallel_loop3A_600 : i32 to index
          %parallel_loop3A_602 = arith.constant 16 : index
          %parallel_loop3A_603 = tpu.vector_load %arg6[%parallel_loop3A_601, %parallel_loop3A_602] {strides = array<i32>} : memref<768x128xf32, #tpu.memory_space<vmem>>, vector<16xf32>,
          %parallel_loop3A_604 = arith.constant 16 : i32
          %parallel_loop3A_605 = arith.muli %parallel_loop3A_409, %parallel_loop3A_604 : i32
          %parallel_loop3A_606 = arith.addi %mul3A_188, %parallel_loop3A_605 : i32
          %parallel_loop3A_607 = arith.constant 9 : i32
          %parallel_loop3A_608 = arith.addi %parallel_loop3A_606, %parallel_loop3A_607 : i32
          %parallel_loop3A_609 = arith.index_cast %parallel_loop3A_608 : i32 to index
          %parallel_loop3A_610 = arith.constant 0 : index
          %parallel_loop3A_611 = tpu.vector_load %arg6[%parallel_loop3A_609, %parallel_loop3A_610] {strides = array<i32>} : memref<768x128xf32, #tpu.memory_space<vmem>>, vector<16xf32>,
          %parallel_loop3A_612 = arith.constant 16 : i32
          %parallel_loop3A_613 = arith.muli %parallel_loop3A_409, %parallel_loop3A_612 : i32
          %parallel_loop3A_614 = arith.addi %mul3A_188, %parallel_loop3A_613 : i32
          %parallel_loop3A_615 = arith.constant 9 : i32
          %parallel_loop3A_616 = arith.addi %parallel_loop3A_614, %parallel_loop3A_615 : i32
          %parallel_loop3A_617 = arith.index_cast %parallel_loop3A_616 : i32 to index
          %parallel_loop3A_618 = arith.constant 16 : index
          %parallel_loop3A_619 = tpu.vector_load %arg6[%parallel_loop3A_617, %parallel_loop3A_618] {strides = array<i32>} : memref<768x128xf32, #tpu.memory_space<vmem>>, vector<16xf32>,
          %parallel_loop3A_620 = arith.constant 16 : i32
          %parallel_loop3A_621 = arith.muli %parallel_loop3A_409, %parallel_loop3A_620 : i32
          %parallel_loop3A_622 = arith.addi %mul3A_188, %parallel_loop3A_621 : i32
          %parallel_loop3A_623 = arith.constant 10 : i32
          %parallel_loop3A_624 = arith.addi %parallel_loop3A_622, %parallel_loop3A_623 : i32
          %parallel_loop3A_625 = arith.index_cast %parallel_loop3A_624 : i32 to index
          %parallel_loop3A_626 = arith.constant 0 : index
          %parallel_loop3A_627 = tpu.vector_load %arg6[%parallel_loop3A_625, %parallel_loop3A_626] {strides = array<i32>} : memref<768x128xf32, #tpu.memory_space<vmem>>, vector<16xf32>,
          %parallel_loop3A_628 = arith.constant 16 : i32
          %parallel_loop3A_629 = arith.muli %parallel_loop3A_409, %parallel_loop3A_628 : i32
          %parallel_loop3A_630 = arith.addi %mul3A_188, %parallel_loop3A_629 : i32
          %parallel_loop3A_631 = arith.constant 10 : i32
          %parallel_loop3A_632 = arith.addi %parallel_loop3A_630, %parallel_loop3A_631 : i32
          %parallel_loop3A_633 = arith.index_cast %parallel_loop3A_632 : i32 to index
          %parallel_loop3A_634 = arith.constant 16 : index
          %parallel_loop3A_635 = tpu.vector_load %arg6[%parallel_loop3A_633, %parallel_loop3A_634] {strides = array<i32>} : memref<768x128xf32, #tpu.memory_space<vmem>>, vector<16xf32>,
          %parallel_loop3A_636 = arith.constant 16 : i32
          %parallel_loop3A_637 = arith.muli %parallel_loop3A_409, %parallel_loop3A_636 : i32
          %parallel_loop3A_638 = arith.addi %mul3A_188, %parallel_loop3A_637 : i32
          %parallel_loop3A_639 = arith.constant 11 : i32
          %parallel_loop3A_640 = arith.addi %parallel_loop3A_638, %parallel_loop3A_639 : i32
          %parallel_loop3A_641 = arith.index_cast %parallel_loop3A_640 : i32 to index
          %parallel_loop3A_642 = arith.constant 0 : index
          %parallel_loop3A_643 = tpu.vector_load %arg6[%parallel_loop3A_641, %parallel_loop3A_642] {strides = array<i32>} : memref<768x128xf32, #tpu.memory_space<vmem>>, vector<16xf32>,
          %parallel_loop3A_644 = arith.constant 16 : i32
          %parallel_loop3A_645 = arith.muli %parallel_loop3A_409, %parallel_loop3A_644 : i32
          %parallel_loop3A_646 = arith.addi %mul3A_188, %parallel_loop3A_645 : i32
          %parallel_loop3A_647 = arith.constant 11 : i32
          %parallel_loop3A_648 = arith.addi %parallel_loop3A_646, %parallel_loop3A_647 : i32
          %parallel_loop3A_649 = arith.index_cast %parallel_loop3A_648 : i32 to index
          %parallel_loop3A_650 = arith.constant 16 : index
          %parallel_loop3A_651 = tpu.vector_load %arg6[%parallel_loop3A_649, %parallel_loop3A_650] {strides = array<i32>} : memref<768x128xf32, #tpu.memory_space<vmem>>, vector<16xf32>,
          %parallel_loop3A_652 = arith.constant 16 : i32
          %parallel_loop3A_653 = arith.muli %parallel_loop3A_409, %parallel_loop3A_652 : i32
          %parallel_loop3A_654 = arith.addi %mul3A_188, %parallel_loop3A_653 : i32
          %parallel_loop3A_655 = arith.constant 12 : i32
          %parallel_loop3A_656 = arith.addi %parallel_loop3A_654, %parallel_loop3A_655 : i32
          %parallel_loop3A_657 = arith.index_cast %parallel_loop3A_656 : i32 to index
          %parallel_loop3A_658 = arith.constant 0 : index
          %parallel_loop3A_659 = tpu.vector_load %arg6[%parallel_loop3A_657, %parallel_loop3A_658] {strides = array<i32>} : memref<768x128xf32, #tpu.memory_space<vmem>>, vector<16xf32>,
          %parallel_loop3A_660 = arith.constant 16 : i32
          %parallel_loop3A_661 = arith.muli %parallel_loop3A_409, %parallel_loop3A_660 : i32
          %parallel_loop3A_662 = arith.addi %mul3A_188, %parallel_loop3A_661 : i32
          %parallel_loop3A_663 = arith.constant 12 : i32
          %parallel_loop3A_664 = arith.addi %parallel_loop3A_662, %parallel_loop3A_663 : i32
          %parallel_loop3A_665 = arith.index_cast %parallel_loop3A_664 : i32 to index
          %parallel_loop3A_666 = arith.constant 16 : index
          %parallel_loop3A_667 = tpu.vector_load %arg6[%parallel_loop3A_665, %parallel_loop3A_666] {strides = array<i32>} : memref<768x128xf32, #tpu.memory_space<vmem>>, vector<16xf32>,
          %parallel_loop3A_668 = arith.constant 16 : i32
          %parallel_loop3A_669 = arith.muli %parallel_loop3A_409, %parallel_loop3A_668 : i32
          %parallel_loop3A_670 = arith.addi %mul3A_188, %parallel_loop3A_669 : i32
          %parallel_loop3A_671 = arith.constant 13 : i32
          %parallel_loop3A_672 = arith.addi %parallel_loop3A_670, %parallel_loop3A_671 : i32
          %parallel_loop3A_673 = arith.index_cast %parallel_loop3A_672 : i32 to index
          %parallel_loop3A_674 = arith.constant 0 : index
          %parallel_loop3A_675 = tpu.vector_load %arg6[%parallel_loop3A_673, %parallel_loop3A_674] {strides = array<i32>} : memref<768x128xf32, #tpu.memory_space<vmem>>, vector<16xf32>,
          %parallel_loop3A_676 = arith.constant 16 : i32
          %parallel_loop3A_677 = arith.muli %parallel_loop3A_409, %parallel_loop3A_676 : i32
          %parallel_loop3A_678 = arith.addi %mul3A_188, %parallel_loop3A_677 : i32
          %parallel_loop3A_679 = arith.constant 13 : i32
          %parallel_loop3A_680 = arith.addi %parallel_loop3A_678, %parallel_loop3A_679 : i32
          %parallel_loop3A_681 = arith.index_cast %parallel_loop3A_680 : i32 to index
          %parallel_loop3A_682 = arith.constant 16 : index
          %parallel_loop3A_683 = tpu.vector_load %arg6[%parallel_loop3A_681, %parallel_loop3A_682] {strides = array<i32>} : memref<768x128xf32, #tpu.memory_space<vmem>>, vector<16xf32>,
          %parallel_loop3A_684 = arith.constant 16 : i32
          %parallel_loop3A_685 = arith.muli %parallel_loop3A_409, %parallel_loop3A_684 : i32
          %parallel_loop3A_686 = arith.addi %mul3A_188, %parallel_loop3A_685 : i32
          %parallel_loop3A_687 = arith.constant 14 : i32
          %parallel_loop3A_688 = arith.addi %parallel_loop3A_686, %parallel_loop3A_687 : i32
          %parallel_loop3A_689 = arith.index_cast %parallel_loop3A_688 : i32 to index
          %parallel_loop3A_690 = arith.constant 0 : index
          %parallel_loop3A_691 = tpu.vector_load %arg6[%parallel_loop3A_689, %parallel_loop3A_690] {strides = array<i32>} : memref<768x128xf32, #tpu.memory_space<vmem>>, vector<16xf32>,
          %parallel_loop3A_692 = arith.constant 16 : i32
          %parallel_loop3A_693 = arith.muli %parallel_loop3A_409, %parallel_loop3A_692 : i32
          %parallel_loop3A_694 = arith.addi %mul3A_188, %parallel_loop3A_693 : i32
          %parallel_loop3A_695 = arith.constant 14 : i32
          %parallel_loop3A_696 = arith.addi %parallel_loop3A_694, %parallel_loop3A_695 : i32
          %parallel_loop3A_697 = arith.index_cast %parallel_loop3A_696 : i32 to index
          %parallel_loop3A_698 = arith.constant 16 : index
          %parallel_loop3A_699 = tpu.vector_load %arg6[%parallel_loop3A_697, %parallel_loop3A_698] {strides = array<i32>} : memref<768x128xf32, #tpu.memory_space<vmem>>, vector<16xf32>,
          %parallel_loop3A_700 = arith.constant 16 : i32
          %parallel_loop3A_701 = arith.muli %parallel_loop3A_409, %parallel_loop3A_700 : i32
          %parallel_loop3A_702 = arith.addi %mul3A_188, %parallel_loop3A_701 : i32
          %parallel_loop3A_703 = arith.constant 15 : i32
          %parallel_loop3A_704 = arith.addi %parallel_loop3A_702, %parallel_loop3A_703 : i32
          %parallel_loop3A_705 = arith.index_cast %parallel_loop3A_704 : i32 to index
          %parallel_loop3A_706 = arith.constant 0 : index
          %parallel_loop3A_707 = tpu.vector_load %arg6[%parallel_loop3A_705, %parallel_loop3A_706] {strides = array<i32>} : memref<768x128xf32, #tpu.memory_space<vmem>>, vector<16xf32>,
          %parallel_loop3A_708 = arith.constant 16 : i32
          %parallel_loop3A_709 = arith.muli %parallel_loop3A_409, %parallel_loop3A_708 : i32
          %parallel_loop3A_710 = arith.addi %mul3A_188, %parallel_loop3A_709 : i32
          %parallel_loop3A_711 = arith.constant 15 : i32
          %parallel_loop3A_712 = arith.addi %parallel_loop3A_710, %parallel_loop3A_711 : i32
          %parallel_loop3A_713 = arith.index_cast %parallel_loop3A_712 : i32 to index
          %parallel_loop3A_714 = arith.constant 16 : index
          %parallel_loop3A_715 = tpu.vector_load %arg6[%parallel_loop3A_713, %parallel_loop3A_714] {strides = array<i32>} : memref<768x128xf32, #tpu.memory_space<vmem>>, vector<16xf32>,
          %parallel_loop3A_716 = arith.constant 0 : i32
          %parallel_loop3A_717 = arith.addi %parallel_loop3A_451, %parallel_loop3A_716 : i32
          %parallel_loop3A_718 = vector.broadcast %parallel_loop3A_717 : i32 to vector<16xi32>
          tpu.vector_store_idx %arg7[%parallel_loop3A_456, %parallel_loop3A_718], %parallel_loop3A_467 : memref<128x129xf32, #tpu.memory_space<vmem>>[vector<16xi32>, vector<16xi32>], vector<16xf32>,
          tpu.vector_store_idx %arg7[%parallel_loop3A_459, %parallel_loop3A_718], %parallel_loop3A_475 : memref<128x129xf32, #tpu.memory_space<vmem>>[vector<16xi32>, vector<16xi32>], vector<16xf32>,
          %parallel_loop3A_719 = arith.constant 1 : i32
          %parallel_loop3A_720 = arith.addi %parallel_loop3A_451, %parallel_loop3A_719 : i32
          %parallel_loop3A_721 = vector.broadcast %parallel_loop3A_720 : i32 to vector<16xi32>
          tpu.vector_store_idx %arg7[%parallel_loop3A_456, %parallel_loop3A_721], %parallel_loop3A_483 : memref<128x129xf32, #tpu.memory_space<vmem>>[vector<16xi32>, vector<16xi32>], vector<16xf32>,
          tpu.vector_store_idx %arg7[%parallel_loop3A_459, %parallel_loop3A_721], %parallel_loop3A_491 : memref<128x129xf32, #tpu.memory_space<vmem>>[vector<16xi32>, vector<16xi32>], vector<16xf32>,
          %parallel_loop3A_722 = arith.constant 2 : i32
          %parallel_loop3A_723 = arith.addi %parallel_loop3A_451, %parallel_loop3A_722 : i32
          %parallel_loop3A_724 = vector.broadcast %parallel_loop3A_723 : i32 to vector<16xi32>
          tpu.vector_store_idx %arg7[%parallel_loop3A_456, %parallel_loop3A_724], %parallel_loop3A_499 : memref<128x129xf32, #tpu.memory_space<vmem>>[vector<16xi32>, vector<16xi32>], vector<16xf32>,
          tpu.vector_store_idx %arg7[%parallel_loop3A_459, %parallel_loop3A_724], %parallel_loop3A_507 : memref<128x129xf32, #tpu.memory_space<vmem>>[vector<16xi32>, vector<16xi32>], vector<16xf32>,
          %parallel_loop3A_725 = arith.constant 3 : i32
          %parallel_loop3A_726 = arith.addi %parallel_loop3A_451, %parallel_loop3A_725 : i32
          %parallel_loop3A_727 = vector.broadcast %parallel_loop3A_726 : i32 to vector<16xi32>
          tpu.vector_store_idx %arg7[%parallel_loop3A_456, %parallel_loop3A_727], %parallel_loop3A_515 : memref<128x129xf32, #tpu.memory_space<vmem>>[vector<16xi32>, vector<16xi32>], vector<16xf32>,
          tpu.vector_store_idx %arg7[%parallel_loop3A_459, %parallel_loop3A_727], %parallel_loop3A_523 : memref<128x129xf32, #tpu.memory_space<vmem>>[vector<16xi32>, vector<16xi32>], vector<16xf32>,
          %parallel_loop3A_728 = arith.constant 4 : i32
          %parallel_loop3A_729 = arith.addi %parallel_loop3A_451, %parallel_loop3A_728 : i32
          %parallel_loop3A_730 = vector.broadcast %parallel_loop3A_729 : i32 to vector<16xi32>
          tpu.vector_store_idx %arg7[%parallel_loop3A_456, %parallel_loop3A_730], %parallel_loop3A_531 : memref<128x129xf32, #tpu.memory_space<vmem>>[vector<16xi32>, vector<16xi32>], vector<16xf32>,
          tpu.vector_store_idx %arg7[%parallel_loop3A_459, %parallel_loop3A_730], %parallel_loop3A_539 : memref<128x129xf32, #tpu.memory_space<vmem>>[vector<16xi32>, vector<16xi32>], vector<16xf32>,
          %parallel_loop3A_731 = arith.constant 5 : i32
          %parallel_loop3A_732 = arith.addi %parallel_loop3A_451, %parallel_loop3A_731 : i32
          %parallel_loop3A_733 = vector.broadcast %parallel_loop3A_732 : i32 to vector<16xi32>
          tpu.vector_store_idx %arg7[%parallel_loop3A_456, %parallel_loop3A_733], %parallel_loop3A_547 : memref<128x129xf32, #tpu.memory_space<vmem>>[vector<16xi32>, vector<16xi32>], vector<16xf32>,
          tpu.vector_store_idx %arg7[%parallel_loop3A_459, %parallel_loop3A_733], %parallel_loop3A_555 : memref<128x129xf32, #tpu.memory_space<vmem>>[vector<16xi32>, vector<16xi32>], vector<16xf32>,
          %parallel_loop3A_734 = arith.constant 6 : i32
          %parallel_loop3A_735 = arith.addi %parallel_loop3A_451, %parallel_loop3A_734 : i32
          %parallel_loop3A_736 = vector.broadcast %parallel_loop3A_735 : i32 to vector<16xi32>
          tpu.vector_store_idx %arg7[%parallel_loop3A_456, %parallel_loop3A_736], %parallel_loop3A_563 : memref<128x129xf32, #tpu.memory_space<vmem>>[vector<16xi32>, vector<16xi32>], vector<16xf32>,
          tpu.vector_store_idx %arg7[%parallel_loop3A_459, %parallel_loop3A_736], %parallel_loop3A_571 : memref<128x129xf32, #tpu.memory_space<vmem>>[vector<16xi32>, vector<16xi32>], vector<16xf32>,
          %parallel_loop3A_737 = arith.constant 7 : i32
          %parallel_loop3A_738 = arith.addi %parallel_loop3A_451, %parallel_loop3A_737 : i32
          %parallel_loop3A_739 = vector.broadcast %parallel_loop3A_738 : i32 to vector<16xi32>
          tpu.vector_store_idx %arg7[%parallel_loop3A_456, %parallel_loop3A_739], %parallel_loop3A_579 : memref<128x129xf32, #tpu.memory_space<vmem>>[vector<16xi32>, vector<16xi32>], vector<16xf32>,
          tpu.vector_store_idx %arg7[%parallel_loop3A_459, %parallel_loop3A_739], %parallel_loop3A_587 : memref<128x129xf32, #tpu.memory_space<vmem>>[vector<16xi32>, vector<16xi32>], vector<16xf32>,
          %parallel_loop3A_740 = arith.constant 8 : i32
          %parallel_loop3A_741 = arith.addi %parallel_loop3A_451, %parallel_loop3A_740 : i32
          %parallel_loop3A_742 = vector.broadcast %parallel_loop3A_741 : i32 to vector<16xi32>
          tpu.vector_store_idx %arg7[%parallel_loop3A_456, %parallel_loop3A_742], %parallel_loop3A_595 : memref<128x129xf32, #tpu.memory_space<vmem>>[vector<16xi32>, vector<16xi32>], vector<16xf32>,
          tpu.vector_store_idx %arg7[%parallel_loop3A_459, %parallel_loop3A_742], %parallel_loop3A_603 : memref<128x129xf32, #tpu.memory_space<vmem>>[vector<16xi32>, vector<16xi32>], vector<16xf32>,
          %parallel_loop3A_743 = arith.constant 9 : i32
          %parallel_loop3A_744 = arith.addi %parallel_loop3A_451, %parallel_loop3A_743 : i32
          %parallel_loop3A_745 = vector.broadcast %parallel_loop3A_744 : i32 to vector<16xi32>
          tpu.vector_store_idx %arg7[%parallel_loop3A_456, %parallel_loop3A_745], %parallel_loop3A_611 : memref<128x129xf32, #tpu.memory_space<vmem>>[vector<16xi32>, vector<16xi32>], vector<16xf32>,
          tpu.vector_store_idx %arg7[%parallel_loop3A_459, %parallel_loop3A_745], %parallel_loop3A_619 : memref<128x129xf32, #tpu.memory_space<vmem>>[vector<16xi32>, vector<16xi32>], vector<16xf32>,
          %parallel_loop3A_746 = arith.constant 10 : i32
          %parallel_loop3A_747 = arith.addi %parallel_loop3A_451, %parallel_loop3A_746 : i32
          %parallel_loop3A_748 = vector.broadcast %parallel_loop3A_747 : i32 to vector<16xi32>
          tpu.vector_store_idx %arg7[%parallel_loop3A_456, %parallel_loop3A_748], %parallel_loop3A_627 : memref<128x129xf32, #tpu.memory_space<vmem>>[vector<16xi32>, vector<16xi32>], vector<16xf32>,
          tpu.vector_store_idx %arg7[%parallel_loop3A_459, %parallel_loop3A_748], %parallel_loop3A_635 : memref<128x129xf32, #tpu.memory_space<vmem>>[vector<16xi32>, vector<16xi32>], vector<16xf32>,
          %parallel_loop3A_749 = arith.constant 11 : i32
          %parallel_loop3A_750 = arith.addi %parallel_loop3A_451, %parallel_loop3A_749 : i32
          %parallel_loop3A_751 = vector.broadcast %parallel_loop3A_750 : i32 to vector<16xi32>
          tpu.vector_store_idx %arg7[%parallel_loop3A_456, %parallel_loop3A_751], %parallel_loop3A_643 : memref<128x129xf32, #tpu.memory_space<vmem>>[vector<16xi32>, vector<16xi32>], vector<16xf32>,
          tpu.vector_store_idx %arg7[%parallel_loop3A_459, %parallel_loop3A_751], %parallel_loop3A_651 : memref<128x129xf32, #tpu.memory_space<vmem>>[vector<16xi32>, vector<16xi32>], vector<16xf32>,
          %parallel_loop3A_752 = arith.constant 12 : i32
          %parallel_loop3A_753 = arith.addi %parallel_loop3A_451, %parallel_loop3A_752 : i32
          %parallel_loop3A_754 = vector.broadcast %parallel_loop3A_753 : i32 to vector<16xi32>
          tpu.vector_store_idx %arg7[%parallel_loop3A_456, %parallel_loop3A_754], %parallel_loop3A_659 : memref<128x129xf32, #tpu.memory_space<vmem>>[vector<16xi32>, vector<16xi32>], vector<16xf32>,
          tpu.vector_store_idx %arg7[%parallel_loop3A_459, %parallel_loop3A_754], %parallel_loop3A_667 : memref<128x129xf32, #tpu.memory_space<vmem>>[vector<16xi32>, vector<16xi32>], vector<16xf32>,
          %parallel_loop3A_755 = arith.constant 13 : i32
          %parallel_loop3A_756 = arith.addi %parallel_loop3A_451, %parallel_loop3A_755 : i32
          %parallel_loop3A_757 = vector.broadcast %parallel_loop3A_756 : i32 to vector<16xi32>
          tpu.vector_store_idx %arg7[%parallel_loop3A_456, %parallel_loop3A_757], %parallel_loop3A_675 : memref<128x129xf32, #tpu.memory_space<vmem>>[vector<16xi32>, vector<16xi32>], vector<16xf32>,
          tpu.vector_store_idx %arg7[%parallel_loop3A_459, %parallel_loop3A_757], %parallel_loop3A_683 : memref<128x129xf32, #tpu.memory_space<vmem>>[vector<16xi32>, vector<16xi32>], vector<16xf32>,
          %parallel_loop3A_758 = arith.constant 14 : i32
          %parallel_loop3A_759 = arith.addi %parallel_loop3A_451, %parallel_loop3A_758 : i32
          %parallel_loop3A_760 = vector.broadcast %parallel_loop3A_759 : i32 to vector<16xi32>
          tpu.vector_store_idx %arg7[%parallel_loop3A_456, %parallel_loop3A_760], %parallel_loop3A_691 : memref<128x129xf32, #tpu.memory_space<vmem>>[vector<16xi32>, vector<16xi32>], vector<16xf32>,
          tpu.vector_store_idx %arg7[%parallel_loop3A_459, %parallel_loop3A_760], %parallel_loop3A_699 : memref<128x129xf32, #tpu.memory_space<vmem>>[vector<16xi32>, vector<16xi32>], vector<16xf32>,
          %parallel_loop3A_761 = arith.constant 15 : i32
          %parallel_loop3A_762 = arith.addi %parallel_loop3A_451, %parallel_loop3A_761 : i32
          %parallel_loop3A_763 = vector.broadcast %parallel_loop3A_762 : i32 to vector<16xi32>
          tpu.vector_store_idx %arg7[%parallel_loop3A_456, %parallel_loop3A_763], %parallel_loop3A_707 : memref<128x129xf32, #tpu.memory_space<vmem>>[vector<16xi32>, vector<16xi32>], vector<16xf32>,
          tpu.vector_store_idx %arg7[%parallel_loop3A_459, %parallel_loop3A_763], %parallel_loop3A_715 : memref<128x129xf32, #tpu.memory_space<vmem>>[vector<16xi32>, vector<16xi32>], vector<16xf32>,
        } {sc.loop_unroll_factor = 2 : i64, sc.parallel_access}
        %add3A_209 = arith.constant 0 : i32
        %add3A_210 = arith.addi %mul3A_206, %add3A_209 : i32
        %add3A_211 = arith.constant 0 : i32
        %add3A_212 = arith.addi %add3A_210, %add3A_211 : i32
        %mul3A_213 = arith.constant 4 : i32
        %mul3A_214 = arith.muli %add3A_78, %mul3A_213 : i32
        %add3A_215 = arith.constant 0 : i32
        %add3A_216 = arith.addi %mul3A_214, %add3A_215 : i32
        %mul3A_217 = arith.constant 32 : i32
        %mul3A_218 = arith.muli %add3A_216, %mul3A_217 : i32
        %mul3A_219 = arith.constant 2 : i32
        %mul3A_220 = arith.muli %add3A_151, %mul3A_219 : i32
        %add3A_221 = arith.addi %mul3A_218, %mul3A_220 : i32
        %add3A_222 = arith.constant 0 : i32
        %add3A_223 = arith.addi %add3A_221, %add3A_222 : i32
        %mul3A_224 = arith.constant 8 : i32
        %mul3A_225 = arith.muli %add3A_223, %mul3A_224 : i32
        %dma_start3A_226 = arith.constant 0 : i32
        %dma_start3A_227 = tpu.memref_slice %arg7[%add3A_212, %dma_start3A_226] : memref<128x129xf32, #tpu.memory_space<vmem>> -> memref<8x128xf32, #tpu.memory_space<vmem>>
        %dma_start3A_228 = arith.constant 0 : i32
        %dma_start3A_229 = tpu.memref_slice %arg4[%mul3A_225, %dma_start3A_228] : memref<204800x128xf32, #tpu.memory_space<hbm>> -> memref<8x128xf32, #tpu.memory_space<hbm>>
        %dma_start3A_230 = arith.constant 0 : i32
        %dma_start3A_231 = tpu.memref_slice %arg4[%mul3A_225, %dma_start3A_230] : memref<204800x128xf32, #tpu.memory_space<hbm>> -> memref<8x128xf32, #tpu.memory_space<hbm>>
        %dma_start3A_232 = arith.constant 0 : i32
        %dma_start3A_233 = tpu.memref_slice %arg7[%add3A_212, %dma_start3A_232] : memref<128x129xf32, #tpu.memory_space<vmem>> -> memref<8x128xf32, #tpu.memory_space<vmem>>
        tpu.enqueue_dma source(%dma_start3A_233 : memref<8x128xf32, #tpu.memory_space<vmem>>) target(%dma_start3A_231 : memref<8x128xf32, #tpu.memory_space<hbm>>) target_semaphore(%arg9 : memref<!tpu.dma_semaphore, #tpu.memory_space<semaphore_mem>>)
        %add3A_234 = arith.constant 32 : i32
        %add3A_235 = arith.addi %mul3A_206, %add3A_234 : i32
        %add3A_236 = arith.constant 0 : i32
        %add3A_237 = arith.addi %add3A_235, %add3A_236 : i32
        %mul3A_238 = arith.constant 4 : i32
        %mul3A_239 = arith.muli %add3A_78, %mul3A_238 : i32
        %add3A_240 = arith.constant 0 : i32
        %add3A_241 = arith.addi %mul3A_239, %add3A_240 : i32
        %mul3A_242 = arith.constant 32 : i32
        %mul3A_243 = arith.muli %add3A_241, %mul3A_242 : i32
        %mul3A_244 = arith.constant 2 : i32
        %mul3A_245 = arith.muli %add3A_151, %mul3A_244 : i32
        %add3A_246 = arith.addi %mul3A_243, %mul3A_245 : i32
        %add3A_247 = arith.constant 1 : i32
        %add3A_248 = arith.addi %add3A_246, %add3A_247 : i32
        %mul3A_249 = arith.constant 8 : i32
        %mul3A_250 = arith.muli %add3A_248, %mul3A_249 : i32
        %dma_start3A_251 = arith.constant 0 : i32
        %dma_start3A_252 = tpu.memref_slice %arg7[%add3A_237, %dma_start3A_251] : memref<128x129xf32, #tpu.memory_space<vmem>> -> memref<8x128xf32, #tpu.memory_space<vmem>>
        %dma_start3A_253 = arith.constant 0 : i32
        %dma_start3A_254 = tpu.memref_slice %arg4[%mul3A_250, %dma_start3A_253] : memref<204800x128xf32, #tpu.memory_space<hbm>> -> memref<8x128xf32, #tpu.memory_space<hbm>>
        %dma_start3A_255 = arith.constant 0 : i32
        %dma_start3A_256 = tpu.memref_slice %arg4[%mul3A_250, %dma_start3A_255] : memref<204800x128xf32, #tpu.memory_space<hbm>> -> memref<8x128xf32, #tpu.memory_space<hbm>>
        %dma_start3A_257 = arith.constant 0 : i32
        %dma_start3A_258 = tpu.memref_slice %arg7[%add3A_237, %dma_start3A_257] : memref<128x129xf32, #tpu.memory_space<vmem>> -> memref<8x128xf32, #tpu.memory_space<vmem>>
        tpu.enqueue_dma source(%dma_start3A_258 : memref<8x128xf32, #tpu.memory_space<vmem>>) target(%dma_start3A_256 : memref<8x128xf32, #tpu.memory_space<hbm>>) target_semaphore(%arg9 : memref<!tpu.dma_semaphore, #tpu.memory_space<semaphore_mem>>)
        %add3A_259 = arith.constant 0 : i32
        %add3A_260 = arith.addi %mul3A_206, %add3A_259 : i32
        %add3A_261 = arith.constant 8 : i32
        %add3A_262 = arith.addi %add3A_260, %add3A_261 : i32
        %mul3A_263 = arith.constant 4 : i32
        %mul3A_264 = arith.muli %add3A_78, %mul3A_263 : i32
        %add3A_265 = arith.constant 1 : i32
        %add3A_266 = arith.addi %mul3A_264, %add3A_265 : i32
        %mul3A_267 = arith.constant 32 : i32
        %mul3A_268 = arith.muli %add3A_266, %mul3A_267 : i32
        %mul3A_269 = arith.constant 2 : i32
        %mul3A_270 = arith.muli %add3A_151, %mul3A_269 : i32
        %add3A_271 = arith.addi %mul3A_268, %mul3A_270 : i32
        %add3A_272 = arith.constant 0 : i32
        %add3A_273 = arith.addi %add3A_271, %add3A_272 : i32
        %mul3A_274 = arith.constant 8 : i32
        %mul3A_275 = arith.muli %add3A_273, %mul3A_274 : i32
        %dma_start3A_276 = arith.constant 0 : i32
        %dma_start3A_277 = tpu.memref_slice %arg7[%add3A_262, %dma_start3A_276] : memref<128x129xf32, #tpu.memory_space<vmem>> -> memref<8x128xf32, #tpu.memory_space<vmem>>
        %dma_start3A_278 = arith.constant 0 : i32
        %dma_start3A_279 = tpu.memref_slice %arg4[%mul3A_275, %dma_start3A_278] : memref<204800x128xf32, #tpu.memory_space<hbm>> -> memref<8x128xf32, #tpu.memory_space<hbm>>
        %dma_start3A_280 = arith.constant 0 : i32
        %dma_start3A_281 = tpu.memref_slice %arg4[%mul3A_275, %dma_start3A_280] : memref<204800x128xf32, #tpu.memory_space<hbm>> -> memref<8x128xf32, #tpu.memory_space<hbm>>
        %dma_start3A_282 = arith.constant 0 : i32
        %dma_start3A_283 = tpu.memref_slice %arg7[%add3A_262, %dma_start3A_282] : memref<128x129xf32, #tpu.memory_space<vmem>> -> memref<8x128xf32, #tpu.memory_space<vmem>>
        tpu.enqueue_dma source(%dma_start3A_283 : memref<8x128xf32, #tpu.memory_space<vmem>>) target(%dma_start3A_281 : memref<8x128xf32, #tpu.memory_space<hbm>>) target_semaphore(%arg9 : memref<!tpu.dma_semaphore, #tpu.memory_space<semaphore_mem>>)
        %add3A_284 = arith.constant 32 : i32
        %add3A_285 = arith.addi %mul3A_206, %add3A_284 : i32
        %add3A_286 = arith.constant 8 : i32
        %add3A_287 = arith.addi %add3A_285, %add3A_286 : i32
        %mul3A_288 = arith.constant 4 : i32
        %mul3A_289 = arith.muli %add3A_78, %mul3A_288 : i32
        %add3A_290 = arith.constant 1 : i32
        %add3A_291 = arith.addi %mul3A_289, %add3A_290 : i32
        %mul3A_292 = arith.constant 32 : i32
        %mul3A_293 = arith.muli %add3A_291, %mul3A_292 : i32
        %mul3A_294 = arith.constant 2 : i32
        %mul3A_295 = arith.muli %add3A_151, %mul3A_294 : i32
        %add3A_296 = arith.addi %mul3A_293, %mul3A_295 : i32
        %add3A_297 = arith.constant 1 : i32
        %add3A_298 = arith.addi %add3A_296, %add3A_297 : i32
        %mul3A_299 = arith.constant 8 : i32
        %mul3A_300 = arith.muli %add3A_298, %mul3A_299 : i32
        %dma_start3A_301 = arith.constant 0 : i32
        %dma_start3A_302 = tpu.memref_slice %arg7[%add3A_287, %dma_start3A_301] : memref<128x129xf32, #tpu.memory_space<vmem>> -> memref<8x128xf32, #tpu.memory_space<vmem>>
        %dma_start3A_303 = arith.constant 0 : i32
        %dma_start3A_304 = tpu.memref_slice %arg4[%mul3A_300, %dma_start3A_303] : memref<204800x128xf32, #tpu.memory_space<hbm>> -> memref<8x128xf32, #tpu.memory_space<hbm>>
        %dma_start3A_305 = arith.constant 0 : i32
        %dma_start3A_306 = tpu.memref_slice %arg4[%mul3A_300, %dma_start3A_305] : memref<204800x128xf32, #tpu.memory_space<hbm>> -> memref<8x128xf32, #tpu.memory_space<hbm>>
        %dma_start3A_307 = arith.constant 0 : i32
        %dma_start3A_308 = tpu.memref_slice %arg7[%add3A_287, %dma_start3A_307] : memref<128x129xf32, #tpu.memory_space<vmem>> -> memref<8x128xf32, #tpu.memory_space<vmem>>
        tpu.enqueue_dma source(%dma_start3A_308 : memref<8x128xf32, #tpu.memory_space<vmem>>) target(%dma_start3A_306 : memref<8x128xf32, #tpu.memory_space<hbm>>) target_semaphore(%arg9 : memref<!tpu.dma_semaphore, #tpu.memory_space<semaphore_mem>>)
        %add3A_309 = arith.constant 0 : i32
        %add3A_310 = arith.addi %mul3A_206, %add3A_309 : i32
        %add3A_311 = arith.constant 16 : i32
        %add3A_312 = arith.addi %add3A_310, %add3A_311 : i32
        %mul3A_313 = arith.constant 4 : i32
        %mul3A_314 = arith.muli %add3A_78, %mul3A_313 : i32
        %add3A_315 = arith.constant 2 : i32
        %add3A_316 = arith.addi %mul3A_314, %add3A_315 : i32
        %mul3A_317 = arith.constant 32 : i32
        %mul3A_318 = arith.muli %add3A_316, %mul3A_317 : i32
        %mul3A_319 = arith.constant 2 : i32
        %mul3A_320 = arith.muli %add3A_151, %mul3A_319 : i32
        %add3A_321 = arith.addi %mul3A_318, %mul3A_320 : i32
        %add3A_322 = arith.constant 0 : i32
        %add3A_323 = arith.addi %add3A_321, %add3A_322 : i32
        %mul3A_324 = arith.constant 8 : i32
        %mul3A_325 = arith.muli %add3A_323, %mul3A_324 : i32
        %dma_start3A_326 = arith.constant 0 : i32
        %dma_start3A_327 = tpu.memref_slice %arg7[%add3A_312, %dma_start3A_326] : memref<128x129xf32, #tpu.memory_space<vmem>> -> memref<8x128xf32, #tpu.memory_space<vmem>>
        %dma_start3A_328 = arith.constant 0 : i32
        %dma_start3A_329 = tpu.memref_slice %arg4[%mul3A_325, %dma_start3A_328] : memref<204800x128xf32, #tpu.memory_space<hbm>> -> memref<8x128xf32, #tpu.memory_space<hbm>>
        %dma_start3A_330 = arith.constant 0 : i32
        %dma_start3A_331 = tpu.memref_slice %arg4[%mul3A_325, %dma_start3A_330] : memref<204800x128xf32, #tpu.memory_space<hbm>> -> memref<8x128xf32, #tpu.memory_space<hbm>>
        %dma_start3A_332 = arith.constant 0 : i32
        %dma_start3A_333 = tpu.memref_slice %arg7[%add3A_312, %dma_start3A_332] : memref<128x129xf32, #tpu.memory_space<vmem>> -> memref<8x128xf32, #tpu.memory_space<vmem>>
        tpu.enqueue_dma source(%dma_start3A_333 : memref<8x128xf32, #tpu.memory_space<vmem>>) target(%dma_start3A_331 : memref<8x128xf32, #tpu.memory_space<hbm>>) target_semaphore(%arg9 : memref<!tpu.dma_semaphore, #tpu.memory_space<semaphore_mem>>)
        %add3A_334 = arith.constant 32 : i32
        %add3A_335 = arith.addi %mul3A_206, %add3A_334 : i32
        %add3A_336 = arith.constant 16 : i32
        %add3A_337 = arith.addi %add3A_335, %add3A_336 : i32
        %mul3A_338 = arith.constant 4 : i32
        %mul3A_339 = arith.muli %add3A_78, %mul3A_338 : i32
        %add3A_340 = arith.constant 2 : i32
        %add3A_341 = arith.addi %mul3A_339, %add3A_340 : i32
        %mul3A_342 = arith.constant 32 : i32
        %mul3A_343 = arith.muli %add3A_341, %mul3A_342 : i32
        %mul3A_344 = arith.constant 2 : i32
        %mul3A_345 = arith.muli %add3A_151, %mul3A_344 : i32
        %add3A_346 = arith.addi %mul3A_343, %mul3A_345 : i32
        %add3A_347 = arith.constant 1 : i32
        %add3A_348 = arith.addi %add3A_346, %add3A_347 : i32
        %mul3A_349 = arith.constant 8 : i32
        %mul3A_350 = arith.muli %add3A_348, %mul3A_349 : i32
        %dma_start3A_351 = arith.constant 0 : i32
        %dma_start3A_352 = tpu.memref_slice %arg7[%add3A_337, %dma_start3A_351] : memref<128x129xf32, #tpu.memory_space<vmem>> -> memref<8x128xf32, #tpu.memory_space<vmem>>
        %dma_start3A_353 = arith.constant 0 : i32
        %dma_start3A_354 = tpu.memref_slice %arg4[%mul3A_350, %dma_start3A_353] : memref<204800x128xf32, #tpu.memory_space<hbm>> -> memref<8x128xf32, #tpu.memory_space<hbm>>
        %dma_start3A_355 = arith.constant 0 : i32
        %dma_start3A_356 = tpu.memref_slice %arg4[%mul3A_350, %dma_start3A_355] : memref<204800x128xf32, #tpu.memory_space<hbm>> -> memref<8x128xf32, #tpu.memory_space<hbm>>
        %dma_start3A_357 = arith.constant 0 : i32
        %dma_start3A_358 = tpu.memref_slice %arg7[%add3A_337, %dma_start3A_357] : memref<128x129xf32, #tpu.memory_space<vmem>> -> memref<8x128xf32, #tpu.memory_space<vmem>>
        tpu.enqueue_dma source(%dma_start3A_358 : memref<8x128xf32, #tpu.memory_space<vmem>>) target(%dma_start3A_356 : memref<8x128xf32, #tpu.memory_space<hbm>>) target_semaphore(%arg9 : memref<!tpu.dma_semaphore, #tpu.memory_space<semaphore_mem>>)
        %add3A_359 = arith.constant 0 : i32
        %add3A_360 = arith.addi %mul3A_206, %add3A_359 : i32
        %add3A_361 = arith.constant 24 : i32
        %add3A_362 = arith.addi %add3A_360, %add3A_361 : i32
        %mul3A_363 = arith.constant 4 : i32
        %mul3A_364 = arith.muli %add3A_78, %mul3A_363 : i32
        %add3A_365 = arith.constant 3 : i32
        %add3A_366 = arith.addi %mul3A_364, %add3A_365 : i32
        %mul3A_367 = arith.constant 32 : i32
        %mul3A_368 = arith.muli %add3A_366, %mul3A_367 : i32
        %mul3A_369 = arith.constant 2 : i32
        %mul3A_370 = arith.muli %add3A_151, %mul3A_369 : i32
        %add3A_371 = arith.addi %mul3A_368, %mul3A_370 : i32
        %add3A_372 = arith.constant 0 : i32
        %add3A_373 = arith.addi %add3A_371, %add3A_372 : i32
        %mul3A_374 = arith.constant 8 : i32
        %mul3A_375 = arith.muli %add3A_373, %mul3A_374 : i32
        %dma_start3A_376 = arith.constant 0 : i32
        %dma_start3A_377 = tpu.memref_slice %arg7[%add3A_362, %dma_start3A_376] : memref<128x129xf32, #tpu.memory_space<vmem>> -> memref<8x128xf32, #tpu.memory_space<vmem>>
        %dma_start3A_378 = arith.constant 0 : i32
        %dma_start3A_379 = tpu.memref_slice %arg4[%mul3A_375, %dma_start3A_378] : memref<204800x128xf32, #tpu.memory_space<hbm>> -> memref<8x128xf32, #tpu.memory_space<hbm>>
        %dma_start3A_380 = arith.constant 0 : i32
        %dma_start3A_381 = tpu.memref_slice %arg4[%mul3A_375, %dma_start3A_380] : memref<204800x128xf32, #tpu.memory_space<hbm>> -> memref<8x128xf32, #tpu.memory_space<hbm>>
        %dma_start3A_382 = arith.constant 0 : i32
        %dma_start3A_383 = tpu.memref_slice %arg7[%add3A_362, %dma_start3A_382] : memref<128x129xf32, #tpu.memory_space<vmem>> -> memref<8x128xf32, #tpu.memory_space<vmem>>
        tpu.enqueue_dma source(%dma_start3A_383 : memref<8x128xf32, #tpu.memory_space<vmem>>) target(%dma_start3A_381 : memref<8x128xf32, #tpu.memory_space<hbm>>) target_semaphore(%arg9 : memref<!tpu.dma_semaphore, #tpu.memory_space<semaphore_mem>>)
        %add3A_384 = arith.constant 32 : i32
        %add3A_385 = arith.addi %mul3A_206, %add3A_384 : i32
        %add3A_386 = arith.constant 24 : i32
        %add3A_387 = arith.addi %add3A_385, %add3A_386 : i32
        %mul3A_388 = arith.constant 4 : i32
        %mul3A_389 = arith.muli %add3A_78, %mul3A_388 : i32
        %add3A_390 = arith.constant 3 : i32
        %add3A_391 = arith.addi %mul3A_389, %add3A_390 : i32
        %mul3A_392 = arith.constant 32 : i32
        %mul3A_393 = arith.muli %add3A_391, %mul3A_392 : i32
        %mul3A_394 = arith.constant 2 : i32
        %mul3A_395 = arith.muli %add3A_151, %mul3A_394 : i32
        %add3A_396 = arith.addi %mul3A_393, %mul3A_395 : i32
        %add3A_397 = arith.constant 1 : i32
        %add3A_398 = arith.addi %add3A_396, %add3A_397 : i32
        %mul3A_399 = arith.constant 8 : i32
        %mul3A_400 = arith.muli %add3A_398, %mul3A_399 : i32
        %dma_start3A_401 = arith.constant 0 : i32
        %dma_start3A_402 = tpu.memref_slice %arg7[%add3A_387, %dma_start3A_401] : memref<128x129xf32, #tpu.memory_space<vmem>> -> memref<8x128xf32, #tpu.memory_space<vmem>>
        %dma_start3A_403 = arith.constant 0 : i32
        %dma_start3A_404 = tpu.memref_slice %arg4[%mul3A_400, %dma_start3A_403] : memref<204800x128xf32, #tpu.memory_space<hbm>> -> memref<8x128xf32, #tpu.memory_space<hbm>>
        %dma_start3A_405 = arith.constant 0 : i32
        %dma_start3A_406 = tpu.memref_slice %arg4[%mul3A_400, %dma_start3A_405] : memref<204800x128xf32, #tpu.memory_space<hbm>> -> memref<8x128xf32, #tpu.memory_space<hbm>>
        %dma_start3A_407 = arith.constant 0 : i32
        %dma_start3A_408 = tpu.memref_slice %arg7[%add3A_387, %dma_start3A_407] : memref<128x129xf32, #tpu.memory_space<vmem>> -> memref<8x128xf32, #tpu.memory_space<vmem>>
        tpu.enqueue_dma source(%dma_start3A_408 : memref<8x128xf32, #tpu.memory_space<vmem>>) target(%dma_start3A_406 : memref<8x128xf32, #tpu.memory_space<hbm>>) target_semaphore(%arg9 : memref<!tpu.dma_semaphore, #tpu.memory_space<semaphore_mem>>)
      }
      %scan3A_123 = arith.constant 16 : i32
      %dma_wait3A = arith.constant 0 : i32
      %dma_wait3A_124 = arith.constant 0 : i32
      %dma_wait3A_125 = tpu.memref_slice %arg7[%dma_wait3A, %dma_wait3A_124] : memref<128x129xf32, #tpu.memory_space<vmem>> -> memref<64x128xf32, #tpu.memory_space<vmem>>
      %dma_wait3A_126 = arith.constant 0 : i32
      %dma_wait3A_127 = arith.constant 0 : i32
      %dma_wait3A_128 = tpu.memref_slice %arg4[%dma_wait3A_126, %dma_wait3A_127] : memref<204800x128xf32, #tpu.memory_space<hbm>> -> memref<64x128xf32, #tpu.memory_space<hbm>>
      %dma_wait3A_129 = arith.constant 0 : i32
      %dma_wait3A_130 = arith.constant 0 : i32
      %dma_wait3A_131 = tpu.memref_slice %arg7[%dma_wait3A_129, %dma_wait3A_130] : memref<128x129xf32, #tpu.memory_space<vmem>> -> memref<64x128xf32, #tpu.memory_space<vmem>>
      %dma_wait3A_132 = arith.constant 0 : i32
      %dma_wait3A_133 = arith.constant 0 : i32
      %dma_wait3A_134 = tpu.memref_slice %arg4[%dma_wait3A_132, %dma_wait3A_133] : memref<204800x128xf32, #tpu.memory_space<hbm>> -> memref<64x128xf32, #tpu.memory_space<hbm>>
      tpu.wait_dma2 semaphore(%arg9 : memref<!tpu.dma_semaphore, #tpu.memory_space<semaphore_mem>>) src(%dma_wait3A_134 : memref<64x128xf32, #tpu.memory_space<hbm>>) dst(%dma_wait3A_131 : memref<64x128xf32, #tpu.memory_space<vmem>>)
      %dma_wait3A_135 = arith.constant 0 : i32
      %dma_wait3A_136 = arith.constant 0 : i32
      %dma_wait3A_137 = tpu.memref_slice %arg7[%dma_wait3A_135, %dma_wait3A_136] : memref<128x129xf32, #tpu.memory_space<vmem>> -> memref<64x128xf32, #tpu.memory_space<vmem>>
      %dma_wait3A_138 = arith.constant 0 : i32
      %dma_wait3A_139 = arith.constant 0 : i32
      %dma_wait3A_140 = tpu.memref_slice %arg4[%dma_wait3A_138, %dma_wait3A_139] : memref<204800x128xf32, #tpu.memory_space<hbm>> -> memref<64x128xf32, #tpu.memory_space<hbm>>
      %dma_wait3A_141 = arith.constant 0 : i32
      %dma_wait3A_142 = arith.constant 0 : i32
      %dma_wait3A_143 = tpu.memref_slice %arg7[%dma_wait3A_141, %dma_wait3A_142] : memref<128x129xf32, #tpu.memory_space<vmem>> -> memref<64x128xf32, #tpu.memory_space<vmem>>
      %dma_wait3A_144 = arith.constant 0 : i32
      %dma_wait3A_145 = arith.constant 0 : i32
      %dma_wait3A_146 = tpu.memref_slice %arg4[%dma_wait3A_144, %dma_wait3A_145] : memref<204800x128xf32, #tpu.memory_space<hbm>> -> memref<64x128xf32, #tpu.memory_space<hbm>>
      tpu.wait_dma2 semaphore(%arg9 : memref<!tpu.dma_semaphore, #tpu.memory_space<semaphore_mem>>) src(%dma_wait3A_146 : memref<64x128xf32, #tpu.memory_space<hbm>>) dst(%dma_wait3A_143 : memref<64x128xf32, #tpu.memory_space<vmem>>)
    }
    return
  }
}

</mosaic_0001>

<sc_bundles>
// kernel: kernel.3.cloned.1.call-start
scs
__scs_entry_jumppad:
0x0: {  	(pc) =	sbr.rel $0x88, $3  }
0x1: {  	(tag) =	ssettag $0x0;
	lr =	simm.s32 $0x1  }
0x2: {  	[smem:$0x3F9F] =	sst lr;
	_ =	strace $0xD0000000  }
0x3: {  	_ = 	snop  }
0x4: {  	_ = 	snop  }
0x5: {  	_ = 	snop  }
0x6: {  	_ = 	snop  }
0x7: {  	_ = 	snop  }
__scs_overlays_trampoline_lowered:
0x8: {  	[smem:$0x3FAE] =	sst s0  }
0x9: {  	[smem:$0x3FAF] =	sst s1  }
0xa: {  	[smem:$0x3FB0] =	sst s2  }
0xb: {  	[smem:$0x3FB1] =	sst s3  }
0xc: {  	[smem:$0x3FB2] =	sst s4  }
0xd: {  	[smem:$0x3FB3] =	sst s5  }
0xe: {  	[smem:$0x3FB4] =	sst s6  }
0xf: {  	[smem:$0x3FB5] =	sst s7  }
0x10: {  	[smem:$0x3FB6] =	sst s8  }
0x11: {  	[smem:$0x3FB7] =	sst s9;
	s0 =	simm.s32 @!p0 $0x0  }
0x12: {  	s1 =	sld [smem:$0x3F9D];
	s0 =	simm.s32 @p0 $0x1  }
0x13: {  	[smem:$0x3FB8] =	sst s0;
	s0 =	simm.s32 @!p1 $0x0  }
0x14: {  	s2 =	sld [smem:$0x3F9C];
	s0 =	simm.s32 @p1 $0x1  }
0x15: {  	[smem:$0x3FB9] =	sst s0;
	s0 =	simm.s32 @!p2 $0x0  }
0x16: {  	s3 =	sld [smem:$0x3FDB];
	s0 =	simm.s32 @p2 $0x1  }
0x17: {  	s4 =	simm.s32 $0x1BF5;
	[smem:$0x3FBB] =	sst s0  }
0x18: {  	s0 =	sld [smem:$0x3F9E];
	_ =	swait.ge [sflag:s4], $0x0  }
0x19: {  	s7 =	sld [smem:$0x3F9F]  }
0x1a: {  	s8 =	sadd.s32 $0xFFFFE003, lr  }
0x1b: {  	s9 =	sadd.s32 $0xFFFFFEF7, lr;
	s5 =	simm.s32 $0xFFFFFFFF;
	p2 =	slt.u32 s8, $0xFFFFF086  }
0x1c: {  	p1 =	slt.u32 s9, $0xF7A;
	s5 =	simm.s32 @!p2 $0x0  }
0x1d: {  	s5 =	simm.s32 @p1 $0x1;
	p0 =	seq.s32 s7, s2  }
0x1e: {  	s7 =	smul.u32 @!p0 $0xF7A, s2;
	p2 =	seq.s32 @!p0 s5, $0x0  }
0x1f: {  	s9 =	smul.u32 $0xF7A, s1;
	s8 =	simm.s32 @!p0 $0x1BF5;
	p2 =	por !p2, p0  }
0x20: {  	[sflag:s8] =	ssyncset.s32 @!p0 $0xFFFFF086;
	s6 =	sadd.s32 @!p0 s3, s7;
	s7 =	simm.s32 @!p0 $0x108  }
0x21: {  	s3 =	sadd.s32 s3, s9;
	s6 =	sadd.s32 @!p0 $0x88, s6;
	s7 =	simm.s32 @p2 $0x1082  }
0x22: {  	[simem:s7], [sflag:s8] =	dma.local @!p0 [hbm:s6], $0xF7A  }
0x23: {  	s9 =	sor.u32 $0xD0000000, s2;
	s6 =	simm.s32 $0x108;
	_ =	swait.ge @!p0 [sflag:s8], $0x0  }
0x24: {  	s3 =	sadd.s32 $0x88, s3;
	s6 =	simm.s32 @!p1 $0x1082;
	[sflag:s4] =	ssyncset.s32 $0xFFFFF086  }
0x25: {  	[simem:s6], [sflag:s4] =	dma.local [hbm:s3], $0xF7A  }
0x26: {  	[smem:$0x3F9F] =	sst s1;
	(tag) =	ssettag s2;
	_ =	strace s9  }
0x27: {  	s1 =	sld [smem:$0x3FAF]  }
0x28: {  	s2 =	sld [smem:$0x3FB0]  }
0x29: {  	s4 =	sld [smem:$0x3FB2]  }
0x2a: {  	p0 =	seq.s32 s5, $0x0;
	s5 =	sld [smem:$0x3FB3]  }
0x2b: {  	s6 =	sld [smem:$0x3FB4]  }
0x2c: {  	s7 =	sld [smem:$0x3FB5]  }
0x2d: {  	s3 =	simm.s32 $0x108;
	s8 =	sld [smem:$0x3FB6]  }
0x2e: {  	s3 =	simm.s32 @!p0 $0x1082;
	s9 =	sld [smem:$0x3FB7]  }
0x2f: {  	lr =	sadd.s32 s0, s3;
	s0 =	sld [smem:$0x3FAE]  }
0x30: {  	s3 =	sld [smem:$0x3FB1]  }
0x31: {  	[smem:$0x3FBA] =	sst s10  }
0x32: {  	s10 =	sld [smem:$0x3FB8];
	_ =	sdelay $0x3  }
0x33: {  	p0 =	seq.s32 s10, $0x1;
	s10 =	sld [smem:$0x3FBA];
	_ =	sdelay $0x3  }
0x34: {  	[smem:$0x3FBA] =	sst s10  }
0x35: {  	s10 =	sld [smem:$0x3FB9];
	_ =	sdelay $0x3  }
0x36: {  	p1 =	seq.s32 s10, $0x1;
	s10 =	sld [smem:$0x3FBA];
	_ =	sdelay $0x3  }
0x37: {  	[smem:$0x3FBA] =	sst s10  }
0x38: {  	s10 =	sld [smem:$0x3FBB]  }
0x39: {  	_ = 	snop;
	(pc) =	sbr.ind lr, $3  }
0x3a: {  	_ = 	snop  }
0x3b: {  	_ = 	snop  }
0x3c: {  	p2 =	seq.s32 s10, $0x1;
	s10 =	sld [smem:$0x3FBA]  }
0x3d: {  	_ =	shalt  }
0x3e: {  	_ =	shalt  }
0x3f: {  	_ =	shalt  }
0x40: {  	_ =	shalt  }
0x41: {  	_ =	shalt  }
0x42: {  	_ =	shalt  }
0x43: {  	_ =	shalt  }
0x44: {  	_ =	shalt  }
0x45: {  	_ =	shalt  }
0x46: {  	_ =	shalt  }
0x47: {  	_ =	shalt  }
0x48: {  	_ =	shalt  }
0x49: {  	_ =	shalt  }
0x4a: {  	_ =	shalt  }
0x4b: {  	_ =	shalt  }
0x4c: {  	_ =	shalt  }
0x4d: {  	_ =	shalt  }
0x4e: {  	_ =	shalt  }
0x4f: {  	_ =	shalt  }
0x50: {  	_ =	shalt  }
0x51: {  	_ =	shalt  }
0x52: {  	_ =	shalt  }
0x53: {  	_ =	shalt  }
0x54: {  	_ =	shalt  }
0x55: {  	_ =	shalt  }
0x56: {  	_ =	shalt  }
0x57: {  	_ =	shalt  }
0x58: {  	_ =	shalt  }
0x59: {  	_ =	shalt  }
0x5a: {  	_ =	shalt  }
0x5b: {  	_ =	shalt  }
0x5c: {  	_ =	shalt  }
0x5d: {  	_ =	shalt  }
0x5e: {  	_ =	shalt  }
0x5f: {  	_ =	shalt  }
0x60: {  	_ =	shalt  }
0x61: {  	_ =	shalt  }
0x62: {  	_ =	shalt  }
0x63: {  	_ =	shalt  }
0x64: {  	_ =	shalt  }
0x65: {  	_ =	shalt  }
0x66: {  	_ =	shalt  }
0x67: {  	_ =	shalt  }
0x68: {  	_ =	shalt  }
0x69: {  	_ =	shalt  }
0x6a: {  	_ =	shalt  }
0x6b: {  	_ =	shalt  }
0x6c: {  	_ =	shalt  }
0x6d: {  	_ =	shalt  }
0x6e: {  	_ =	shalt  }
0x6f: {  	_ =	shalt  }
0x70: {  	_ =	shalt  }
0x71: {  	_ =	shalt  }
0x72: {  	_ =	shalt  }
0x73: {  	_ =	shalt  }
0x74: {  	_ =	shalt  }
0x75: {  	_ =	shalt  }
0x76: {  	_ =	shalt  }
0x77: {  	_ =	shalt  }
0x78: {  	_ =	shalt  }
0x79: {  	_ =	shalt  }
0x7a: {  	_ =	shalt  }
0x7b: {  	_ =	shalt  }
0x7c: {  	_ =	shalt  }
0x7d: {  	_ =	shalt  }
0x7e: {  	_ =	shalt  }
0x7f: {  	_ =	shalt  }
0x80: {  	_ =	shalt  }
0x81: {  	_ =	shalt  }
0x82: {  	_ =	shalt  }
0x83: {  	_ =	shalt  }
0x84: {  	_ =	shalt  }
0x85: {  	_ =	shalt  }
0x86: {  	_ =	shalt  }
0x87: {  	_ =	shalt  }
.Lfunc_end0:
.L_simem_size_0:
called_computation_lowered:
.L_overlay_start_0:
0x88: {  	s2 =	sld [smem:$0x3FD9]  }
0x89: {  	s3 =	sld [smem:$0x3FFE];
	_ =	sdelay $0x1  }
0x8a: {  	s1 =	srdreg.scid  }
0x8b: {  	s0 =	sand.u32 $0x1, s1  }
0x8c: {  	s17 =	sshll.u32 s0, $0xA;
	s2 =	sadd.s32 s3, s2  }
0x8d: {  	s2 =	sadd.s32 s2, s17  }
0x8e: {  	[smem:$0x3FC6] =	sst s2  }
0x8f: {  	_ = 	snop  }
0x90: {  	s2 =	sld [smem:$0x3FD0];
	(tm) =	ssettm $0x1  }
0x91: {  	s18 =	sld [smem:$0x3FFB];
	_ =	sdelay $0x3  }
0x92: {  	_ =	strace s18  }
0x93: {  	s3 =	sld [smem:$0x3FFC];
	_ =	sdelay $0x3  }
0x94: {  	_ =	strace s3  }
0x95: {  	s3 =	sld [smem:$0x3FFD];
	_ =	sdelay $0x3  }
0x96: {  	_ =	strace s3  }
0x97: {  	_ =	strace $0x8FFFFFFF  }
0x98: {  	s19 =	sld [smem:$0x3FDB];
	_ =	sdelay $0x1  }
0x99: {  	s4 =	simm.s32 $_scs_section_size  }
0x9a: {  	s5 =	simm.s32 $_size__tile_overlayer_lowered;
	s6 =	simm.s32 $_tile_overlayer_lowered  }
0x9b: {  	s22 =	simm.s32 $0x1BFF;
	s21 =	sshll.u32 s6, $0x1;
	s3 =	sadd.s32 s4, s19  }
0x9c: {  	s7 =	simm.s32 $0x0;
	s20 =	sshll.u32 s5, $0x1;
	s5 =	sadd.s32 s21, s3  }
0x9d: {  	[timem:s7], [sflag:s22] =	dma.local [hbm:s5], s20  }
0x9e: {  	_ =	swait.ge [sflag:s22], s20  }
0x9f: {  	s4 =	ssub.s32 $0x0, s20;
	[sflag:s22] =	ssyncset.done $0x0  }
0xa0: {  	[sflag:s22] =	ssyncadd.s32 s4;
	_ =	sdelay $0x1  }
0xa1: {  	s23 =	simm.s32 $0x1B8B  }
0xa2: {  	_ =	swait.ge [sflag:s23], $0x1  }
0xa3: {  	[sflag:s23] =	ssyncset.done $0x0  }
0xa4: {  	s25 =	simm.s32 $0x1B8E;
	s24 =	sld [smem:$0x3FFE];
	[sflag:s23] =	ssyncadd.s32 $0xFFFFFFFF  }
0xa5: {  	s26 =	simm.s32 $execute0_lowered;
	[smem:$0x3FD2] =	sst s25  }
0xa6: {  	s5 =	sshll.u32 s26, $0x1;
	_ =	strace $0x80000046;
	[dreg:$0x1] =	wrdreg $0xFFFFFFFF  }
0xa7: {  	s28 =	simm.s32 $_size_execute0_lowered;
	s3 =	sadd.s32 s3, s5;
	[dreg:$0x0] =	wrdreg $0x0  }
0xa8: {  	s5 =	sshll.u32 s28, $0x1;
	[dreg:$0x2] =	wrdreg s3  }
0xa9: {  	[dreg:$0x3] =	wrdreg s5  }
0xaa: {  	[dreg:$0x4] =	wrdreg $0xC0  }
0xab: {  	_ =	task [dreg:s7], $0x5FFFF  }
0xac: {  	[dreg:$0x1] =	wrdreg $0xFFFFFFFF  }
0xad: {  	[dreg:$0x0] =	wrdreg $0x60  }
0xae: {  	[dreg:$0x2] =	wrdreg s24  }
0xaf: {  	[dreg:$0x3] =	wrdreg s2  }
0xb0: {  	[dreg:$0x4] =	wrdreg $0x9  }
0xb1: {  	_ =	task.clear_ibuf [dreg:s7], $0x5FFFF;
	_ =	strace $0x90000046  }
0xb2: {  	s29 =	simm.s32 $0x9;
	_ =	strace $0x80000048  }
0xb3: {  	_ =	swait.ge [sflag:s29], $0x1  }
0xb4: {  	[sflag:s29] =	ssyncadd.s32 $0xFFFFFFFF  }
0xb5: {  	_ =	strace $0x90000048  }
0xb6: {  	_ =	sfence  }
0xb7: {  	s30 =	sld [smem:$0x0];
	_ =	sdelay $0x2  }
0xb8: {  	s31 =	sshll.u32 s1, $0xD;
	s1 =	sshrl.u32 s1, $0x2  }
0xb9: {  	s3 =	sand.u32 $0x4000, s31;
	s1 =	sadd.s32 s1, s30  }
0xba: {  	s0 =	sor.u32 s3, s0;
	s1 =	sshll.u32 s1, $0x11  }
0xbb: {  	s0 =	sor.u32 s1, s0  }
0xbc: {  	s0 =	sadd.s32 $0x8F2B, s0  }
0xbd: {  	[sflag:s0] =	ssyncadd.remote.s32 $0x1  }
0xbe: {  	_ =	sfence.sel $0xFFFF  }
0xbf: {  	[dreg:$0x0] =	wrdreg $0xFFFFFFFF;
	(pc) =	sbr.abs _section_cstart, $3  }
0xc0: {  	[dreg:$0x1] =	wrdreg $0xFFFFFFFF  }
0xc1: {  	_ =	task.clear_ibuf [dreg:s7], $0x2FFFF;
	_ =	strace $0x9FFFFFFF  }
0xc2: {  	(tm) =	ssettm $0x7FFFFFFF  }
0xc3: {  	_ =	shalt  }
tec
execute0_lowered:
.L_overlay_start_1:
0x0: {  	(tag) =	ssettag $0x1  }
0x1: {  	s0 =	rddreg [dreg:$0x0]  }
0x2: {  	s2 =	rddreg [dreg:$0x1]  }
0x3: {  	s3 =	simm.s32 $0x0;
	s1 =	srdreg.scid;
	s9 =	stileid.u32  }
0x4: {  	s16 =	simm.s32 $0x3;
	s17 =	simm.s32 $0x80;
	s22 =	simm.s32 $0x180  }
0x5: {  	s23 =	simm.s32 $0xD000;
	s24 =	simm.s32 $0x1;
	s25 =	simm.s32 $0x2  }
0x6: {  	s26 =	simm.s32 $0x19000;
	[smem:$0x7FF] =	sst s3;
	s1 =	sand.u32 $0x1, s1  }
0x7: {  	s4 =	sshll.u32 s9, $0x1;
	s5 =	sadd.s32 $0xF5BA00, s0;
	p0 =	sgt.u32 s9, $0x3  }
0x8: {  	s9 =	sadd.s32 $0x1000, s2;
	s10 =	sadd.s32 $0x1080, s2;
	s11 =	sadd.s32 $0x2000, s2  }
0x9: {  	s12 =	sadd.s32 $0x2080, s2;
	s13 =	sadd.s32 $0x3000, s2;
	s14 =	sadd.s32 $0x3080, s2  }
0xa: {  	v0 =	vlaneseq.u32;
	_ =	strace $0x80000047;
	s6 =	ssub.s32 $0x2, s1;
	s1 =	sor.u32 s1, s4  }
0xb: {  	v62 =	vimm.s32 $0x0;
	vm0 =	vcmask $0x300;
	v63 =	vmul.u32 $0x88, v0;
	s4 =	sadd.s32 $0xF42A00, s0;
	s7 =	sshrl.u32 s6, $0x1;
	s8 =	smul.u32 $0x6, s1  }
0xc: {  	v43 =	vsel vm0, $0x3, v62;
	s1 =	smin.u32 s1, $0x8;
	s31 =	ssub.s32 s6, s7;
	s7 =	simm.s32 $0x6  }
0xd: {  	[tilespmem:$0x1FFF0] =	vst v43;
	v20 =	vadd.s32 $0x880, v63;
	s6 =	sadd.s32 s1, s8;
	s7 =	simm.s32 @!p0 $0x7;
	s0 =	smax.u32 s31, $0x1  }
0xe: {  	[tilespmem:$0x1FFE0] =	vst v20;
	s8 =	sadd.s32 $0x80, s2;
	s1 =	simm.s32 $0x0;
	[dreg:$0x3] =	wrdreg s0  }
.LBB2_1:
0xf: {  	[dreg:$0x4] =	wrdreg s1;
	s29 =	simm.s32 $0x0  }
.LBB2_2:
0x10: {  	s0 =	sadd.s32 s29, s6  }
0x11: {  	s1 =	sshll.u32 s0, $0x9  }
0x12: {  	s1 =	sand.u32 $0x1FFFFE00, s1  }
0x13: {  	s30 =	simm.s32 $0x0;
	s1 =	sadd.s32 s4, s1  }
0x14: {  	[tilespmem:s30], [sflag:$0x3] =	stream.linear.gather [hbm4b:s1+s30], $0x1000, $0x38;
	[tilespmem:$0x1D400] =	vst v63  }
0x15: {  	_ =	swait.ge [sflag:s16], $0x1000  }
0x16: {  	[sflag:s16] =	ssyncset.done $0x0  }
0x17: {  	s20 =	simm.s32 $0x1000;
	[sflag:s16] =	ssyncadd.s32 $0xFFFFF000  }
0x18: {  	[tilespmem:s20], [sflag:$0x1] =	stream.indirect.gather [hbm4b:s5+s17], $0x80, s30, s17, $0xb8;
	[tilespmem:$0x1D400] =	vst v63  }
0x19: {  	s21 =	simm.s32 $0x5000  }
0x1a: {  	[tilespmem:s21], [sflag:$0x1] =	stream.indirect.gather [hbm4b:s5+s17], $0x80, s17, s17, $0xb8;
	[tilespmem:$0x1D400] =	vst v63  }
0x1b: {  	s28 =	simm.s32 $0x100;
	s15 =	simm.s32 $0x9000  }
0x1c: {  	[tilespmem:s15], [sflag:$0x1] =	stream.indirect.gather [hbm4b:s5+s17], $0x80, s28, s17, $0xb8;
	[tilespmem:$0x1D400] =	vst v63  }
0x1d: {  	s31 =	sshll.u32 s0, $0xE;
	s0 =	simm.s32 $0x1800  }
0x1e: {  	[tilespmem:s23], [sflag:$0x1] =	stream.indirect.gather [hbm4b:s5+s17], $0x80, s22, s17, $0xb8;
	[tilespmem:$0x1D400] =	vst v63  }
.LBB2_3:
0x1f: {  	p0 =	sgt.u32 s30, $0xD  }
0x20: {  	s1 =	sadd.s32 @!p0 $0x2, s30  }
0x21: {  	s15 =	smul.u32 @!p0 $0xAB, s1;
	_ =	sdelay $0x1  }
0x22: {  	s15 =	sshrl.u32 @!p0 s15, $0x9  }
0x23: {  	s15 =	sand.u32 @!p0 $0x7F, s15  }
0x24: {  	s15 =	smul.u32 @!p0 $0x3, s15;
	_ =	sdelay $0x1  }
0x25: {  	_ =	swait.ge [sflag:s24], $0x8000;
	s15 =	ssub.s32 @!p0 s1, s15  }
0x26: {  	[sflag:s24] =	ssyncset.done $0x0;
	s15 =	sand.u32 @!p0 $0xFF, s15  }
0x27: {  	s19 =	simm.s32 @!p0 $0x80;
	s1 =	sshll.u32 @!p0 s1, $0x8;
	s15 =	sshll.u32 @!p0 s15, $0xF  }
0x28: {  	[sflag:s24] =	ssyncadd.s32 $0xFFFF8000;
	s1 =	sand.u32 @!p0 $0x3FFFFF00, s1;
	s18 =	sor.u32 @!p0 $0x1000, s15  }
0x29: {  	[tilespmem:s18], [sflag:$0x1] =	stream.indirect.gather @!p0 [hbm4b:s5+s19], $0x80, s1, s19, $0xb8;
	[tilespmem:$0x1D400] =	vst v63  }
0x2a: {  	s15 =	sor.u32 @!p0 $0x5000, s15;
	s1 =	sor.u32 @!p0 $0x80, s1  }
0x2b: {  	[tilespmem:s15], [sflag:$0x1] =	stream.indirect.gather @!p0 [hbm4b:s5+s19], $0x80, s1, s19, $0xb8;
	[tilespmem:$0x1D400] =	vst v63  }
0x2c: {  	s19 =	smulhi.u32 $0xAAAAAAAB, s30;
	_ =	sdelay $0x1  }
0x2d: {  	s1 =	sshrl.u32 s19, $0x1  }
0x2e: {  	s1 =	smul.u32 $0xFFFA0000, s1;
	_ =	sdelay $0x1  }
0x2f: {  	s1 =	sshra.s32 s1, $0x2  }
0x30: {  	p1 =	slt.u32 @!p0 s30, $0x2;
	v3 =	vmov s1  }
0x31: {  	p0 =	por p0, !p1  }
0x32: {  	_ =	swait.ge @p0 [sflag:s25], $0x2000  }
0x33: {  	[sflag:s25] =	ssyncset.done @p0 $0x0  }
0x34: {  	[sflag:s25] =	ssyncadd.s32 @p0 $0xFFFFE000  }
0x35: {  	v0 =	vld.idx.msk [tilespmem:v3+s0+$0x0 ss:$0x1], $0xffff  }
0x36: {  	v1 =	vld.idx.msk [tilespmem:v3+s0+$0x10 ss:$0x1], $0xffff  }
0x37: {  	v2 =	vld.idx.msk [tilespmem:v3+s0+$0x80 ss:$0x1], $0xffff  }
0x38: {  	v4 =	vld.idx.msk [tilespmem:v3+s0+$0x90 ss:$0x1], $0xffff  }
0x39: {  	v5 =	vld.idx.msk [tilespmem:v3+s0+$0x100 ss:$0x1], $0xffff  }
0x3a: {  	v6 =	vld.idx.msk [tilespmem:v3+s0+$0x110 ss:$0x1], $0xffff  }
0x3b: {  	v7 =	vld.idx.msk [tilespmem:v3+s0+$0x180 ss:$0x1], $0xffff  }
0x3c: {  	v8 =	vld.idx.msk [tilespmem:v3+s0+$0x190 ss:$0x1], $0xffff  }
0x3d: {  	v9 =	vld.idx.msk [tilespmem:v3+s0+$0x200 ss:$0x1], $0xffff  }
0x3e: {  	v10 =	vld.idx.msk [tilespmem:v3+s0+$0x210 ss:$0x1], $0xffff  }
0x3f: {  	v12 =	vld.idx.msk [tilespmem:v3+s0+$0x280 ss:$0x1], $0xffff  }
0x40: {  	v13 =	vld.idx.msk [tilespmem:v3+s0+$0x290 ss:$0x1], $0xffff  }
0x41: {  	v14 =	vld.idx.msk [tilespmem:v3+s0+$0x300 ss:$0x1], $0xffff  }
0x42: {  	v15 =	vld.idx.msk [tilespmem:v3+s0+$0x310 ss:$0x1], $0xffff  }
0x43: {  	v17 =	vld.idx.msk [tilespmem:v3+s0+$0x380 ss:$0x1], $0xffff  }
0x44: {  	v18 =	vld.idx.msk [tilespmem:v3+s0+$0x390 ss:$0x1], $0xffff  }
0x45: {  	v19 =	vld.idx.msk [tilespmem:v3+s0+$0x400 ss:$0x1], $0xffff  }
0x46: {  	v21 =	vld.idx.msk [tilespmem:v3+s0+$0x410 ss:$0x1], $0xffff  }
0x47: {  	v23 =	vld.idx.msk [tilespmem:v3+s0+$0x480 ss:$0x1], $0xffff  }
0x48: {  	v24 =	vld.idx.msk [tilespmem:v3+s0+$0x490 ss:$0x1], $0xffff  }
0x49: {  	s20 =	sshll.u32 s30, $0x6;
	s15 =	simm.s32 $0x0;
	v25 =	vld.idx.msk [tilespmem:v3+s0+$0x500 ss:$0x1], $0xffff  }
0x4a: {  	s21 =	sand.u32 $0x20, s15;
	s1 =	sand.u32 $0x40, s20;
	v26 =	vld.idx.msk [tilespmem:v3+s0+$0x510 ss:$0x1], $0xffff  }
0x4b: {  	s28 =	simm.s32 $0x10;
	s18 =	sor.u32 s1, s21;
	v27 =	vld.idx.msk [tilespmem:v3+s0+$0x580 ss:$0x1], $0xffff  }
0x4c: {  	s19 =	sand.u32 $0x70, s28;
	v11 =	vmov s18;
	v28 =	vld.idx.msk [tilespmem:v3+s0+$0x590 ss:$0x1], $0xffff  }
0x4d: {  	v16 =	vmov s19;
	v11 =	vmul.u32 $0x88, v11;
	v29 =	vld.idx.msk [tilespmem:v3+s0+$0x600 ss:$0x1], $0xffff  }
0x4e: {  	v16 =	vshrl.u32 v16, $0x3;
	v30 =	vld.idx.msk [tilespmem:v3+s0+$0x610 ss:$0x1], $0xffff  }
0x4f: {  	v16 =	vshll.u32 v16, v43;
	v11 =	vbroadcast v11, $0x0;
	v32 =	vld.idx.msk [tilespmem:v3+s0+$0x680 ss:$0x1], $0xffff  }
0x50: {  	v16 =	vbroadcast v16, $0x0;
	v34 =	vld.idx.msk [tilespmem:v3+s0+$0x690 ss:$0x1], $0xffff  }
0x51: {  	v35 =	vld.idx.msk [tilespmem:v3+s0+$0x700 ss:$0x1], $0xffff;
	v31 =	vadd.s32 v63, v11  }
0x52: {  	v37 =	vld.idx.msk [tilespmem:v3+s0+$0x710 ss:$0x1], $0xffff;
	v33 =	vadd.s32 v20, v11;
	v11 =	vadd.s32 v16, v31  }
0x53: {  	v38 =	vld.idx.msk [tilespmem:v3+s0+$0x780 ss:$0x1], $0xffff;
	v16 =	vadd.s32 v16, v33  }
0x54: {  	v39 =	vld.idx.msk [tilespmem:v3+s0+$0x790 ss:$0x1], $0xffff;
	v20 =	vor.u32 $0x1, v11  }
0x55: {  	v41 =	vld.idx.msk [tilespmem:v3+s0+$0xFFFFF800 ss:$0x1], $0xffff;
	v22 =	vor.u32 $0x1, v16  }
0x56: {  	v42 =	vld.idx.msk [tilespmem:v3+s0+$0xFFFFF810 ss:$0x1], $0xffff;
	v36 =	vor.u32 $0x2, v11  }
0x57: {  	v58 =	vld.idx.msk [tilespmem:v3+s0+$0xFFFFF880 ss:$0x1], $0xffff;
	[tilespmem:v11+s26+$0x0] =	vst.idx.msk $0xffff, v0;
	v0 =	vor.u32 $0x2, v16  }
0x58: {  	v59 =	vld.idx.msk [tilespmem:v3+s0+$0xFFFFF890 ss:$0x1], $0xffff;
	[tilespmem:v16+s26+$0x0] =	vst.idx.msk $0xffff, v1;
	v1 =	vor.u32 $0x3, v11  }
0x59: {  	v62 =	vld.idx.msk [tilespmem:v3+s0+$0xFFFFF900 ss:$0x1], $0xffff;
	[tilespmem:v20+s26+$0x0] =	vst.idx.msk $0xffff, v2;
	v2 =	vor.u32 $0x3, v16  }
0x5a: {  	v61 =	vld.idx.msk [tilespmem:v3+s0+$0xFFFFF910 ss:$0x1], $0xffff;
	[tilespmem:v22+s26+$0x0] =	vst.idx.msk $0xffff, v4;
	v4 =	vor.u32 $0x4, v11  }
0x5b: {  	v40 =	vld.idx.msk [tilespmem:v3+s0+$0xFFFFFC80 ss:$0x1], $0xffff;
	[tilespmem:v36+s26+$0x0] =	vst.idx.msk $0xffff, v5;
	v5 =	vor.u32 $0x4, v16  }
0x5c: {  	s18 =	sor.u32 $0x8, s19;
	v45 =	vld.idx.msk [tilespmem:v3+s0+$0xFFFFFC90 ss:$0x1], $0xffff;
	[tilespmem:v0+s26+$0x0] =	vst.idx.msk $0xffff, v6;
	v0 =	vor.u32 $0x5, v11  }
0x5d: {  	v47 =	vld.idx.msk [tilespmem:v3+s0+$0xFFFFFD00 ss:$0x1], $0xffff;
	v20 =	vmov s18;
	[tilespmem:v1+s26+$0x0] =	vst.idx.msk $0xffff, v7;
	v1 =	vor.u32 $0x5, v16  }
0x5e: {  	v48 =	vld.idx.msk [tilespmem:v3+s0+$0xFFFFFD10 ss:$0x1], $0xffff;
	v20 =	vshrl.u32 v20, $0x3;
	[tilespmem:v2+s26+$0x0] =	vst.idx.msk $0xffff, v8;
	v2 =	vor.u32 $0x6, v11  }
0x5f: {  	v50 =	vld.idx.msk [tilespmem:v3+s0+$0xFFFFFD80 ss:$0x1], $0xffff;
	v20 =	vshll.u32 v20, v43;
	[tilespmem:v4+s26+$0x0] =	vst.idx.msk $0xffff, v9;
	v4 =	vor.u32 $0x6, v16  }
0x60: {  	v51 =	vld.idx.msk [tilespmem:v3+s0+$0xFFFFFD90 ss:$0x1], $0xffff;
	[tilespmem:v5+s26+$0x0] =	vst.idx.msk $0xffff, v10;
	v5 =	vor.u32 $0x7, v11;
	v10 =	vbroadcast v20, $0x0  }
0x61: {  	v52 =	vld.idx.msk [tilespmem:v3+s0+$0xFFFFFE00 ss:$0x1], $0xffff;
	[tilespmem:v0+s26+$0x0] =	vst.idx.msk $0xffff, v12;
	v0 =	vor.u32 $0x7, v16  }
0x62: {  	v53 =	vld.idx.msk [tilespmem:v3+s0+$0xFFFFFE10 ss:$0x1], $0xffff;
	[tilespmem:v1+s26+$0x0] =	vst.idx.msk $0xffff, v13;
	v1 =	vadd.s32 v31, v10  }
0x63: {  	v54 =	vld.idx.msk [tilespmem:v3+s0+$0xFFFFFE80 ss:$0x1], $0xffff;
	[tilespmem:v2+s26+$0x0] =	vst.idx.msk $0xffff, v14;
	v2 =	vadd.s32 v33, v10  }
0x64: {  	v55 =	vld.idx.msk [tilespmem:v3+s0+$0xFFFFFE90 ss:$0x1], $0xffff;
	[tilespmem:v4+s26+$0x0] =	vst.idx.msk $0xffff, v15;
	v4 =	vor.u32 $0x1, v1  }
0x65: {  	v57 =	vld.idx.msk [tilespmem:v3+s0+$0xFFFFFF00 ss:$0x1], $0xffff;
	[tilespmem:v5+s26+$0x0] =	vst.idx.msk $0xffff, v17;
	v5 =	vor.u32 $0x1, v2  }
0x66: {  	v56 =	vld.idx.msk [tilespmem:v3+s0+$0xFFFFFF10 ss:$0x1], $0xffff;
	[tilespmem:v0+s26+$0x0] =	vst.idx.msk $0xffff, v18;
	v0 =	vor.u32 $0x2, v1  }
0x67: {  	v49 =	vld.idx.msk [tilespmem:v3+s0+$0xFFFFFF80 ss:$0x1], $0xffff;
	v10 =	vor.u32 $0x2, v2;
	[tilespmem:v1+s26+$0x0] =	vst.idx.msk $0xffff, v19  }
0x68: {  	v46 =	vld.idx.msk [tilespmem:v3+s0+$0xFFFFFF90 ss:$0x1], $0xffff;
	v15 =	vor.u32 $0x3, v1;
	[tilespmem:v2+s26+$0x0] =	vst.idx.msk $0xffff, v21  }
0x69: {  	s20 =	simm.s32 $0x0;
	v22 =	vld.idx.msk [tilespmem:v3+s0+$0xFFFFFC00 ss:$0x1], $0xffff;
	[tilespmem:v4+s26+$0x0] =	vst.idx.msk $0xffff, v23;
	v4 =	vor.u32 $0x3, v2  }
0x6a: {  	s18 =	sand.u32 $0x60, s20;
	v36 =	vld.idx.msk [tilespmem:v3+s0+$0xFFFFFC10 ss:$0x1], $0xffff;
	[tilespmem:v5+s26+$0x0] =	vst.idx.msk $0xffff, v24;
	v5 =	vor.u32 $0x4, v1  }
0x6b: {  	s21 =	sor.u32 $0x8, s18;
	v7 =	vld.idx.msk [tilespmem:v3+s0+$0xFFFFF980 ss:$0x1], $0xffff;
	[tilespmem:v0+s26+$0x0] =	vst.idx.msk $0xffff, v25;
	v0 =	vor.u32 $0x4, v2  }
0x6c: {  	v8 =	vld.idx.msk [tilespmem:v3+s0+$0xFFFFF990 ss:$0x1], $0xffff;
	v18 =	vmov s21;
	v19 =	vmov s18;
	[tilespmem:v10+s26+$0x0] =	vst.idx.msk $0xffff, v26;
	v10 =	vor.u32 $0x5, v1  }
0x6d: {  	v9 =	vld.idx.msk [tilespmem:v3+s0+$0xFFFFFA00 ss:$0x1], $0xffff;
	v18 =	vshrl.u32 v18, $0x3;
	v19 =	vshrl.u32 v19, $0x3;
	[tilespmem:v15+s26+$0x0] =	vst.idx.msk $0xffff, v27;
	v15 =	vor.u32 $0x5, v2  }
0x6e: {  	v18 =	vshll.u32 v18, v43;
	v21 =	vor.u32 $0x6, v1;
	v19 =	vshll.u32 v19, v43;
	[tilespmem:v4+s26+$0x0] =	vst.idx.msk $0xffff, v28  }
0x6f: {  	v11 =	vld.idx.msk [tilespmem:v3+s0+$0xFFFFFA10 ss:$0x1], $0xffff;
	v18 =	vbroadcast v18, $0x0;
	v23 =	vor.u32 $0x6, v2;
	v19 =	vbroadcast v19, $0x0;
	[tilespmem:v5+s26+$0x0] =	vst.idx.msk $0xffff, v29  }
0x70: {  	v20 =	vld.idx.msk [tilespmem:v3+s0+$0xFFFFFB90 ss:$0x1], $0xffff;
	[tilespmem:v0+s26+$0x0] =	vst.idx.msk $0xffff, v30;
	v0 =	vor.u32 $0x7, v1  }
0x71: {  	v2 =	vor.u32 $0x7, v2;
	v4 =	vadd.s32 v18, v31;
	v1 =	vadd.s32 v19, v31;
	[tilespmem:v10+s26+$0x0] =	vst.idx.msk $0xffff, v32  }
0x72: {  	v12 =	vld.idx.msk [tilespmem:v3+s0+$0xFFFFFA80 ss:$0x1], $0xffff;
	v5 =	vadd.s32 v18, v33;
	v44 =	vor.u32 $0x3, v4;
	v43 =	vor.u32 $0x4, v4;
	[tilespmem:v15+s26+$0x0] =	vst.idx.msk $0xffff, v34  }
0x73: {  	v16 =	vld.idx.msk [tilespmem:v3+s0+$0xFFFFFB10 ss:$0x1], $0xffff;
	v25 =	vor.u32 $0x6, v4;
	v24 =	vor.u32 $0x5, v5;
	v10 =	vadd.s32 v19, v33;
	[tilespmem:v21+s26+$0x0] =	vst.idx.msk $0xffff, v35  }
0x74: {  	v13 =	vld.idx.msk [tilespmem:v3+s0+$0xFFFFFA90 ss:$0x1], $0xffff;
	v18 =	vor.u32 $0x1, v1;
	v6 =	vor.u32 $0x2, v1;
	v26 =	vor.u32 $0x3, v1;
	[tilespmem:v23+s26+$0x0] =	vst.idx.msk $0xffff, v37  }
0x75: {  	v14 =	vld.idx.msk [tilespmem:v3+s0+$0xFFFFFB00 ss:$0x1], $0xffff;
	v27 =	vor.u32 $0x4, v1;
	v30 =	vor.u32 $0x5, v1;
	v15 =	vor.u32 $0x1, v10;
	[tilespmem:v0+s26+$0x0] =	vst.idx.msk $0xffff, v38  }
0x76: {  	v17 =	vld.idx.msk [tilespmem:v3+s0+$0xFFFFFB80 ss:$0x1], $0xffff;
	v33 =	vor.u32 $0x6, v1;
	v32 =	vor.u32 $0x1, v5;
	v19 =	vor.u32 $0x2, v10;
	[tilespmem:v1+s26+$0x0] =	vst.idx.msk $0xffff, v41  }
0x77: {  	v28 =	vor.u32 $0x4, v10;
	v29 =	vor.u32 $0x5, v10;
	v31 =	vor.u32 $0x6, v10;
	[tilespmem:v2+s26+$0x0] =	vst.idx.msk $0xffff, v39  }
0x78: {  	v34 =	vor.u32 $0x7, v1;
	v21 =	vor.u32 $0x3, v10;
	v35 =	vor.u32 $0x7, v10;
	[tilespmem:v10+s26+$0x0] =	vst.idx.msk $0xffff, v42  }
0x79: {  	v23 =	vor.u32 $0x1, v4;
	v37 =	vor.u32 $0x4, v5;
	v41 =	vor.u32 $0x2, v5;
	[tilespmem:v18+s26+$0x0] =	vst.idx.msk $0xffff, v58  }
0x7a: {  	v38 =	vor.u32 $0x5, v4;
	v39 =	vor.u32 $0x2, v4;
	v42 =	vor.u32 $0x3, v5;
	[tilespmem:v15+s26+$0x0] =	vst.idx.msk $0xffff, v59  }
0x7b: {  	s19 =	sadd.s32 $0x1000, s0;
	s18 =	simm.s32 $0x0;
	v10 =	vor.u32 $0x7, v5;
	v18 =	vor.u32 $0x6, v5;
	v15 =	vor.u32 $0x7, v4;
	[tilespmem:v6+s26+$0x0] =	vst.idx.msk $0xffff, v62  }
.LBB2_4:
0x7c: {  	v62 =	vld.idx.msk [tilespmem:v3+s19+$0x0 ss:$0x1], $0xffff;
	[tilespmem:v19+s26+$0x0] =	vst.idx.msk $0xffff, v61  }
0x7d: {  	v60 =	vld.idx.msk [tilespmem:v3+s19+$0x10 ss:$0x1], $0xffff;
	[tilespmem:v26+s26+$0x0] =	vst.idx.msk $0xffff, v7  }
0x7e: {  	v2 =	vld.idx.msk [tilespmem:v3+s19+$0x80 ss:$0x1], $0xffff;
	[tilespmem:v21+s26+$0x0] =	vst.idx.msk $0xffff, v8  }
0x7f: {  	v0 =	vld.idx.msk [tilespmem:v3+s19+$0x90 ss:$0x1], $0xffff;
	[tilespmem:v27+s26+$0x0] =	vst.idx.msk $0xffff, v9  }
0x80: {  	v1 =	vld.idx.msk [tilespmem:v3+s19+$0x100 ss:$0x1], $0xffff;
	[tilespmem:v28+s26+$0x0] =	vst.idx.msk $0xffff, v11  }
0x81: {  	v6 =	vld.idx.msk [tilespmem:v3+s19+$0x110 ss:$0x1], $0xffff;
	[tilespmem:v30+s26+$0x0] =	vst.idx.msk $0xffff, v12  }
0x82: {  	v7 =	vld.idx.msk [tilespmem:v3+s19+$0x180 ss:$0x1], $0xffff;
	[tilespmem:v29+s26+$0x0] =	vst.idx.msk $0xffff, v13  }
0x83: {  	v8 =	vld.idx.msk [tilespmem:v3+s19+$0x190 ss:$0x1], $0xffff;
	[tilespmem:v33+s26+$0x0] =	vst.idx.msk $0xffff, v14  }
0x84: {  	v9 =	vld.idx.msk [tilespmem:v3+s19+$0x200 ss:$0x1], $0xffff;
	[tilespmem:v31+s26+$0x0] =	vst.idx.msk $0xffff, v16  }
0x85: {  	v11 =	vld.idx.msk [tilespmem:v3+s19+$0x210 ss:$0x1], $0xffff;
	[tilespmem:v34+s26+$0x0] =	vst.idx.msk $0xffff, v17  }
0x86: {  	v12 =	vld.idx.msk [tilespmem:v3+s19+$0x280 ss:$0x1], $0xffff;
	[tilespmem:v35+s26+$0x0] =	vst.idx.msk $0xffff, v20  }
0x87: {  	v13 =	vld.idx.msk [tilespmem:v3+s19+$0x290 ss:$0x1], $0xffff;
	[tilespmem:v4+s26+$0x0] =	vst.idx.msk $0xffff, v22  }
0x88: {  	v14 =	vld.idx.msk [tilespmem:v3+s19+$0x300 ss:$0x1], $0xffff;
	[tilespmem:v5+s26+$0x0] =	vst.idx.msk $0xffff, v36  }
0x89: {  	v16 =	vld.idx.msk [tilespmem:v3+s19+$0x310 ss:$0x1], $0xffff;
	[tilespmem:v23+s26+$0x0] =	vst.idx.msk $0xffff, v40  }
0x8a: {  	v17 =	vld.idx.msk [tilespmem:v3+s19+$0x380 ss:$0x1], $0xffff;
	[tilespmem:v32+s26+$0x0] =	vst.idx.msk $0xffff, v45  }
0x8b: {  	v20 =	vld.idx.msk [tilespmem:v3+s19+$0x390 ss:$0x1], $0xffff;
	[tilespmem:v39+s26+$0x0] =	vst.idx.msk $0xffff, v47  }
0x8c: {  	v22 =	vld.idx.msk [tilespmem:v3+s19+$0x400 ss:$0x1], $0xffff;
	[tilespmem:v41+s26+$0x0] =	vst.idx.msk $0xffff, v48  }
0x8d: {  	v36 =	vld.idx.msk [tilespmem:v3+s19+$0x410 ss:$0x1], $0xffff;
	[tilespmem:v44+s26+$0x0] =	vst.idx.msk $0xffff, v50  }
0x8e: {  	v40 =	vld.idx.msk [tilespmem:v3+s19+$0x480 ss:$0x1], $0xffff;
	[tilespmem:v42+s26+$0x0] =	vst.idx.msk $0xffff, v51  }
0x8f: {  	s15 =	sadd.s32 $0x8, s15;
	v23 =	vld [tilespmem:$0x1FFE0];
	[tilespmem:v43+s26+$0x0] =	vst.idx.msk $0xffff, v52  }
0x90: {  	s20 =	sand.u32 $0x20, s15;
	v44 =	vld [tilespmem:$0x1FFF0];
	[tilespmem:v37+s26+$0x0] =	vst.idx.msk $0xffff, v53  }
0x91: {  	s28 =	sadd.s32 $0x20, s28;
	s20 =	sor.u32 s1, s20;
	v45 =	vld.idx.msk [tilespmem:v3+s19+$0x490 ss:$0x1], $0xffff;
	[tilespmem:v38+s26+$0x0] =	vst.idx.msk $0xffff, v54  }
0x92: {  	v4 =	vmov s20;
	s20 =	sand.u32 $0x70, s28;
	v47 =	vld.idx.msk [tilespmem:v3+s19+$0x500 ss:$0x1], $0xffff;
	[tilespmem:v24+s26+$0x0] =	vst.idx.msk $0xffff, v55  }
0x93: {  	s21 =	sadd.s32 $0xFFFFFFF0, s28;
	v4 =	vmul.u32 $0x88, v4;
	v5 =	vmov s20;
	v48 =	vld.idx.msk [tilespmem:v3+s19+$0x510 ss:$0x1], $0xffff;
	[tilespmem:v25+s26+$0x0] =	vst.idx.msk $0xffff, v57  }
0x94: {  	s21 =	sand.u32 $0x60, s21;
	v5 =	vshrl.u32 v5, $0x3;
	v50 =	vld.idx.msk [tilespmem:v3+s19+$0x580 ss:$0x1], $0xffff;
	[tilespmem:v18+s26+$0x0] =	vst.idx.msk $0xffff, v56  }
0x95: {  	v19 =	vmov s21;
	v4 =	vbroadcast v4, $0x0;
	v5 =	vshll.u32 v5, v44;
	[tilespmem:v15+s26+$0x0] =	vst.idx.msk $0xffff, v49;
	v15 =	vld.idx.msk [tilespmem:v3+s19+$0x700 ss:$0x1], $0xffff  }
0x96: {  	v19 =	vshrl.u32 v19, $0x3;
	v51 =	vld.idx.msk [tilespmem:v3+s19+$0x590 ss:$0x1], $0xffff;
	v5 =	vbroadcast v5, $0x0  }
0x97: {  	v52 =	vld.idx.msk [tilespmem:v3+s19+$0x600 ss:$0x1], $0xffff;
	v19 =	vshll.u32 v19, v44;
	v18 =	vadd.s32 v63, v4  }
0x98: {  	v53 =	vld.idx.msk [tilespmem:v3+s19+$0x610 ss:$0x1], $0xffff;
	v25 =	vadd.s32 v23, v4;
	v19 =	vbroadcast v19, $0x0;
	v24 =	vadd.s32 v5, v18  }
0x99: {  	v54 =	vld.idx.msk [tilespmem:v3+s19+$0x680 ss:$0x1], $0xffff;
	v37 =	vadd.s32 v5, v25  }
0x9a: {  	v55 =	vld.idx.msk [tilespmem:v3+s19+$0x690 ss:$0x1], $0xffff;
	v59 =	vadd.s32 v19, v18;
	[tilespmem:$0x1FF50] =	vst v15;
	v15 =	vor.u32 $0x1, v24  }
0x9b: {  	v56 =	vld.idx.msk [tilespmem:v3+s19+$0x710 ss:$0x1], $0xffff;
	v23 =	vor.u32 $0x1, v37;
	[tilespmem:v10+s26+$0x0] =	vst.idx.msk $0xffff, v46;
	v10 =	vor.u32 $0x2, v59  }
0x9c: {  	v49 =	vld.idx.msk [tilespmem:v3+s19+$0x780 ss:$0x1], $0xffff;
	[tilespmem:$0x1FFC0] =	vst v10  }
0x9d: {  	v61 =	vor.u32 $0x2, v24;
	v46 =	vld.idx.msk [tilespmem:v3+s19+$0x790 ss:$0x1], $0xffff;
	[tilespmem:v24+s26+$0x0] =	vst.idx.msk $0xffff, v62  }
0x9e: {  	v10 =	vor.u32 $0x2, v37;
	[tilespmem:v37+s26+$0x0] =	vst.idx.msk $0xffff, v60  }
0x9f: {  	v38 =	vor.u32 $0x3, v24;
	[tilespmem:v15+s26+$0x0] =	vst.idx.msk $0xffff, v2  }
0xa0: {  	[tilespmem:v23+s26+$0x0] =	vst.idx.msk $0xffff, v0;
	v0 =	vld.idx.msk [tilespmem:v3+s19+$0xFFFFF890 ss:$0x1], $0xffff  }
0xa1: {  	s21 =	sor.u32 $0x8, s21;
	v2 =	vld.idx.msk [tilespmem:v3+s19+$0xFFFFF880 ss:$0x1], $0xffff  }
0xa2: {  	v21 =	vmov s21;
	v15 =	vor.u32 $0x3, v37;
	[tilespmem:v61+s26+$0x0] =	vst.idx.msk $0xffff, v1  }
0xa3: {  	v21 =	vshrl.u32 v21, $0x3;
	v57 =	vor.u32 $0x4, v24;
	[tilespmem:v10+s26+$0x0] =	vst.idx.msk $0xffff, v6  }
0xa4: {  	v21 =	vshll.u32 v21, v44;
	v42 =	vor.u32 $0x4, v37;
	[tilespmem:v38+s26+$0x0] =	vst.idx.msk $0xffff, v7  }
0xa5: {  	v21 =	vbroadcast v21, $0x0;
	[tilespmem:$0x1FFB0] =	vst v0;
	v0 =	vld.idx.msk [tilespmem:v3+s19+$0xFFFFF900 ss:$0x1], $0xffff  }
0xa6: {  	s20 =	sor.u32 $0x8, s20;
	v10 =	vor.u32 $0x5, v24;
	[tilespmem:$0x1FF90] =	vst v2  }
0xa7: {  	v4 =	vadd.s32 v21, v18;
	v60 =	vmov s20;
	v38 =	vor.u32 $0x5, v37;
	[tilespmem:v15+s26+$0x0] =	vst.idx.msk $0xffff, v8  }
0xa8: {  	v5 =	vadd.s32 v21, v25;
	v21 =	vld.idx.msk [tilespmem:v3+s19+$0xFFFFF800 ss:$0x1], $0xffff;
	v62 =	vshrl.u32 v60, $0x3;
	v15 =	vor.u32 $0x6, v24;
	[tilespmem:v57+s26+$0x0] =	vst.idx.msk $0xffff, v9  }
0xa9: {  	v27 =	vld.idx.msk [tilespmem:v3+s19+$0xFFFFF810 ss:$0x1], $0xffff;
	v43 =	vshll.u32 v62, v44;
	v57 =	vor.u32 $0x6, v37;
	[tilespmem:v42+s26+$0x0] =	vst.idx.msk $0xffff, v11  }
0xaa: {  	v61 =	vld.idx.msk [tilespmem:v3+s19+$0xFFFFF910 ss:$0x1], $0xffff;
	v6 =	vbroadcast v43, $0x0;
	[tilespmem:$0x1FFD0] =	vst v0;
	v0 =	vor.u32 $0x7, v24  }
0xab: {  	v60 =	vmov v63;
	v63 =	vor.u32 $0x7, v37;
	v7 =	vld.idx.msk [tilespmem:v3+s19+$0xFFFFF980 ss:$0x1], $0xffff;
	[tilespmem:v10+s26+$0x0] =	vst.idx.msk $0xffff, v12  }
0xac: {  	v8 =	vld.idx.msk [tilespmem:v3+s19+$0xFFFFF990 ss:$0x1], $0xffff;
	v62 =	vadd.s32 v18, v6;
	[tilespmem:v38+s26+$0x0] =	vst.idx.msk $0xffff, v13  }
0xad: {  	v6 =	vadd.s32 v25, v6;
	v9 =	vld.idx.msk [tilespmem:v3+s19+$0xFFFFFA00 ss:$0x1], $0xffff;
	[tilespmem:v15+s26+$0x0] =	vst.idx.msk $0xffff, v14  }
0xae: {  	v11 =	vld.idx.msk [tilespmem:v3+s19+$0xFFFFFA10 ss:$0x1], $0xffff;
	[tilespmem:v57+s26+$0x0] =	vst.idx.msk $0xffff, v16;
	v57 =	vor.u32 $0x1, v62  }
0xaf: {  	v12 =	vld.idx.msk [tilespmem:v3+s19+$0xFFFFFA80 ss:$0x1], $0xffff;
	[tilespmem:v0+s26+$0x0] =	vst.idx.msk $0xffff, v17;
	v0 =	vor.u32 $0x1, v6  }
0xb0: {  	v13 =	vld.idx.msk [tilespmem:v3+s19+$0xFFFFFA90 ss:$0x1], $0xffff;
	[tilespmem:v63+s26+$0x0] =	vst.idx.msk $0xffff, v20;
	v63 =	vor.u32 $0x2, v62  }
0xb1: {  	v1 =	vor.u32 $0x2, v6;
	v14 =	vld.idx.msk [tilespmem:v3+s19+$0xFFFFFB00 ss:$0x1], $0xffff;
	[tilespmem:v62+s26+$0x0] =	vst.idx.msk $0xffff, v22  }
0xb2: {  	v2 =	vor.u32 $0x3, v62;
	v16 =	vld.idx.msk [tilespmem:v3+s19+$0xFFFFFB10 ss:$0x1], $0xffff;
	[tilespmem:v6+s26+$0x0] =	vst.idx.msk $0xffff, v36  }
0xb3: {  	v17 =	vld.idx.msk [tilespmem:v3+s19+$0xFFFFFB80 ss:$0x1], $0xffff;
	[tilespmem:v57+s26+$0x0] =	vst.idx.msk $0xffff, v40;
	v57 =	vor.u32 $0x3, v6  }
0xb4: {  	v20 =	vld.idx.msk [tilespmem:v3+s19+$0xFFFFFB90 ss:$0x1], $0xffff;
	[tilespmem:v0+s26+$0x0] =	vst.idx.msk $0xffff, v45;
	v0 =	vor.u32 $0x4, v62  }
0xb5: {  	v22 =	vld.idx.msk [tilespmem:v3+s19+$0xFFFFFC00 ss:$0x1], $0xffff;
	[tilespmem:v63+s26+$0x0] =	vst.idx.msk $0xffff, v47;
	v63 =	vor.u32 $0x4, v6  }
0xb6: {  	v36 =	vld.idx.msk [tilespmem:v3+s19+$0xFFFFFC10 ss:$0x1], $0xffff;
	[tilespmem:v1+s26+$0x0] =	vst.idx.msk $0xffff, v48;
	v1 =	vor.u32 $0x5, v62  }
0xb7: {  	v40 =	vld.idx.msk [tilespmem:v3+s19+$0xFFFFFC80 ss:$0x1], $0xffff;
	[tilespmem:v2+s26+$0x0] =	vst.idx.msk $0xffff, v50;
	v2 =	vor.u32 $0x5, v6  }
0xb8: {  	v45 =	vld.idx.msk [tilespmem:v3+s19+$0xFFFFFC90 ss:$0x1], $0xffff;
	[tilespmem:v57+s26+$0x0] =	vst.idx.msk $0xffff, v51  }
0xb9: {  	v47 =	vld.idx.msk [tilespmem:v3+s19+$0xFFFFFD00 ss:$0x1], $0xffff;
	[tilespmem:v0+s26+$0x0] =	vst.idx.msk $0xffff, v52  }
0xba: {  	v48 =	vld.idx.msk [tilespmem:v3+s19+$0xFFFFFD10 ss:$0x1], $0xffff;
	[tilespmem:v63+s26+$0x0] =	vst.idx.msk $0xffff, v53  }
0xbb: {  	v50 =	vld.idx.msk [tilespmem:v3+s19+$0xFFFFFD80 ss:$0x1], $0xffff;
	[tilespmem:v1+s26+$0x0] =	vst.idx.msk $0xffff, v54  }
0xbc: {  	v57 =	vor.u32 $0x6, v62;
	[tilespmem:v2+s26+$0x0] =	vst.idx.msk $0xffff, v55;
	v2 =	vld [tilespmem:$0x1FF50]  }
0xbd: {  	v51 =	vld.idx.msk [tilespmem:v3+s19+$0xFFFFFD90 ss:$0x1], $0xffff;
	v0 =	vor.u32 $0x6, v6  }
0xbe: {  	v52 =	vld.idx.msk [tilespmem:v3+s19+$0xFFFFFE00 ss:$0x1], $0xffff  }
0xbf: {  	v53 =	vld.idx.msk [tilespmem:v3+s19+$0xFFFFFE10 ss:$0x1], $0xffff  }
0xc0: {  	[tilespmem:$0x1FF60] =	vst v21;
	v62 =	vor.u32 $0x7, v62;
	v54 =	vld.idx.msk [tilespmem:v3+s19+$0xFFFFFE80 ss:$0x1], $0xffff  }
0xc1: {  	v1 =	vor.u32 $0x7, v6;
	v55 =	vld.idx.msk [tilespmem:v3+s19+$0xFFFFFE90 ss:$0x1], $0xffff;
	[tilespmem:v57+s26+$0x0] =	vst.idx.msk $0xffff, v2  }
0xc2: {  	[tilespmem:v0+s26+$0x0] =	vst.idx.msk $0xffff, v56;
	v0 =	vld [tilespmem:$0x1FF60]  }
0xc3: {  	v57 =	vld.idx.msk [tilespmem:v3+s19+$0xFFFFFF00 ss:$0x1], $0xffff  }
0xc4: {  	[tilespmem:$0x1FF70] =	vst v27;
	v56 =	vld.idx.msk [tilespmem:v3+s19+$0xFFFFFF10 ss:$0x1], $0xffff  }
0xc5: {  	[tilespmem:v62+s26+$0x0] =	vst.idx.msk $0xffff, v49;
	v49 =	vld.idx.msk [tilespmem:v3+s19+$0xFFFFFF80 ss:$0x1], $0xffff  }
0xc6: {  	[tilespmem:v1+s26+$0x0] =	vst.idx.msk $0xffff, v46;
	v46 =	vld.idx.msk [tilespmem:v3+s19+$0xFFFFFF90 ss:$0x1], $0xffff  }
0xc7: {  	v58 =	vadd.s32 v19, v25;
	[tilespmem:v59+s26+$0x0] =	vst.idx.msk $0xffff, v0;
	v0 =	vld [tilespmem:$0x1FF70];
	_ =	sdelay $0x2  }
0xc8: {  	v19 =	vor.u32 $0x1, v59  }
0xc9: {  	[tilespmem:$0x1FF80] =	vst v19  }
0xca: {  	[tilespmem:v58+s26+$0x0] =	vst.idx.msk $0xffff, v0;
	v0 =	vld [tilespmem:$0x1FF80];
	_ =	sdelay $0x2  }
0xcb: {  	v1 =	vld [tilespmem:$0x1FF90];
	_ =	sdelay $0x2  }
0xcc: {  	v19 =	vor.u32 $0x1, v58  }
0xcd: {  	[tilespmem:$0x1FFA0] =	vst v19  }
0xce: {  	[tilespmem:v0+s26+$0x0] =	vst.idx.msk $0xffff, v1;
	v0 =	vld [tilespmem:$0x1FFA0];
	_ =	sdelay $0x2  }
0xcf: {  	v1 =	vld [tilespmem:$0x1FFB0];
	_ =	sdelay $0x4  }
0xd0: {  	v26 =	vor.u32 $0x3, v59;
	[tilespmem:v0+s26+$0x0] =	vst.idx.msk $0xffff, v1;
	v0 =	vld [tilespmem:$0x1FFC0]  }
0xd1: {  	v28 =	vor.u32 $0x4, v58;
	v30 =	vor.u32 $0x5, v59;
	v29 =	vor.u32 $0x5, v58  }
0xd2: {  	s18 =	sadd.s32 $0x2, s18;
	v33 =	vor.u32 $0x6, v59;
	v31 =	vor.u32 $0x6, v58;
	v34 =	vor.u32 $0x7, v59  }
0xd3: {  	p0 =	slt.u32 s18, $0xE;
	v35 =	vor.u32 $0x7, v58;
	v32 =	vor.u32 $0x1, v5;
	v39 =	vor.u32 $0x2, v4;
	v1 =	vld [tilespmem:$0x1FFD0]  }
.Ltmp0:
0xd4: {  	v41 =	vor.u32 $0x2, v5;
	v19 =	vor.u32 $0x2, v58;
	v21 =	vor.u32 $0x3, v58;
	(pc) =	sbr.rel @p0 .LBB2_4-.Ltmp0, $4  }
0xd5: {  	v27 =	vor.u32 $0x4, v59;
	v44 =	vor.u32 $0x3, v4;
	v23 =	vor.u32 $0x1, v4  }
0xd6: {  	v43 =	vor.u32 $0x4, v4;
	v25 =	vor.u32 $0x6, v4;
	v18 =	vor.u32 $0x6, v5  }
0xd7: {  	v37 =	vor.u32 $0x4, v5;
	v42 =	vor.u32 $0x3, v5;
	v10 =	vor.u32 $0x7, v5  }
0xd8: {  	v38 =	vor.u32 $0x5, v4;
	v15 =	vor.u32 $0x7, v4;
	v24 =	vor.u32 $0x5, v5;
	v63 =	vmovc v60;
	s19 =	sadd.s32 $0x1000, s19;
	[tilespmem:v0+s26+$0x0] =	vst.idx.msk $0xffff, v1  }
0xd9: {  	_ =	sdelay $0x3  }
0xda: {  	[tilespmem:v19+s26+$0x0] =	vst.idx.msk $0xffff, v61  }
0xdb: {  	[tilespmem:v26+s26+$0x0] =	vst.idx.msk $0xffff, v7  }
0xdc: {  	[tilespmem:v21+s26+$0x0] =	vst.idx.msk $0xffff, v8  }
0xdd: {  	[tilespmem:v27+s26+$0x0] =	vst.idx.msk $0xffff, v9  }
0xde: {  	[tilespmem:v28+s26+$0x0] =	vst.idx.msk $0xffff, v11  }
0xdf: {  	[tilespmem:v30+s26+$0x0] =	vst.idx.msk $0xffff, v12  }
0xe0: {  	[tilespmem:v29+s26+$0x0] =	vst.idx.msk $0xffff, v13  }
0xe1: {  	[tilespmem:v33+s26+$0x0] =	vst.idx.msk $0xffff, v14  }
0xe2: {  	[tilespmem:v31+s26+$0x0] =	vst.idx.msk $0xffff, v16  }
0xe3: {  	[tilespmem:v34+s26+$0x0] =	vst.idx.msk $0xffff, v17  }
0xe4: {  	[tilespmem:v35+s26+$0x0] =	vst.idx.msk $0xffff, v20  }
0xe5: {  	[tilespmem:v4+s26+$0x0] =	vst.idx.msk $0xffff, v22  }
0xe6: {  	[tilespmem:v5+s26+$0x0] =	vst.idx.msk $0xffff, v36  }
0xe7: {  	[tilespmem:v23+s26+$0x0] =	vst.idx.msk $0xffff, v40  }
0xe8: {  	[tilespmem:v32+s26+$0x0] =	vst.idx.msk $0xffff, v45  }
0xe9: {  	[tilespmem:v39+s26+$0x0] =	vst.idx.msk $0xffff, v47  }
0xea: {  	[tilespmem:v41+s26+$0x0] =	vst.idx.msk $0xffff, v48  }
0xeb: {  	[tilespmem:v44+s26+$0x0] =	vst.idx.msk $0xffff, v50  }
0xec: {  	[tilespmem:v42+s26+$0x0] =	vst.idx.msk $0xffff, v51  }
0xed: {  	[tilespmem:v43+s26+$0x0] =	vst.idx.msk $0xffff, v52  }
0xee: {  	[tilespmem:v37+s26+$0x0] =	vst.idx.msk $0xffff, v53  }
0xef: {  	[tilespmem:v38+s26+$0x0] =	vst.idx.msk $0xffff, v54  }
0xf0: {  	[tilespmem:v24+s26+$0x0] =	vst.idx.msk $0xffff, v55  }
0xf1: {  	s15 =	sshll.u32 s30, $0x8;
	s1 =	smul.u32 $0x220, s1;
	[tilespmem:v25+s26+$0x0] =	vst.idx.msk $0xffff, v57  }
0xf2: {  	s15 =	sadd.s32 s31, s15;
	[tilespmem:v18+s26+$0x0] =	vst.idx.msk $0xffff, v56  }
0xf3: {  	s15 =	sand.u32 $0x1FFFCF00, s15;
	s1 =	sshrl.u32 s1, $0x2;
	[tilespmem:v15+s26+$0x0] =	vst.idx.msk $0xffff, v49  }
0xf4: {  	s18 =	sadd.s32 s2, s15;
	s19 =	sadd.s32 $0x19000, s1;
	[tilespmem:v10+s26+$0x0] =	vst.idx.msk $0xffff, v46  }
0xf5: {  	[hbm4b:s18+s3] =	stream.linear.scatter [tilespmem:s19], [sflag:$0x2], $0x80, $0x38;
	[tilespmem:$0x1D400] =	vst v63  }
0xf6: {  	s28 =	sadd.s32 $0x19088, s1;
	s20 =	sadd.s32 $0x10, s18  }
0xf7: {  	[hbm4b:s20+s3] =	stream.linear.scatter [tilespmem:s28], [sflag:$0x2], $0x80, $0x38;
	[tilespmem:$0x1D400] =	vst v63  }
0xf8: {  	s21 =	sadd.s32 $0x19110, s1;
	s28 =	sadd.s32 $0x20, s18  }
0xf9: {  	[hbm4b:s28+s3] =	stream.linear.scatter [tilespmem:s21], [sflag:$0x2], $0x80, $0x38;
	[tilespmem:$0x1D400] =	vst v63  }
0xfa: {  	s21 =	sadd.s32 $0x19198, s1;
	s28 =	sadd.s32 $0x30, s18  }
0xfb: {  	[hbm4b:s28+s3] =	stream.linear.scatter [tilespmem:s21], [sflag:$0x2], $0x80, $0x38;
	[tilespmem:$0x1D400] =	vst v63  }
0xfc: {  	s21 =	sadd.s32 $0x19220, s1;
	s28 =	sadd.s32 $0x40, s18  }
0xfd: {  	[hbm4b:s28+s3] =	stream.linear.scatter [tilespmem:s21], [sflag:$0x2], $0x80, $0x38;
	[tilespmem:$0x1D400] =	vst v63  }
0xfe: {  	s21 =	sadd.s32 $0x192A8, s1;
	s28 =	sadd.s32 $0x50, s18  }
0xff: {  	[hbm4b:s28+s3] =	stream.linear.scatter [tilespmem:s21], [sflag:$0x2], $0x80, $0x38;
	[tilespmem:$0x1D400] =	vst v63  }
0x100: {  	s20 =	sadd.s32 $0x19330, s1;
	s21 =	sadd.s32 $0x60, s18  }
0x101: {  	[hbm4b:s21+s3] =	stream.linear.scatter [tilespmem:s20], [sflag:$0x2], $0x80, $0x38;
	[tilespmem:$0x1D400] =	vst v63  }
0x102: {  	s28 =	sadd.s32 $0x193B8, s1;
	s18 =	sadd.s32 $0x70, s18  }
0x103: {  	[hbm4b:s18+s3] =	stream.linear.scatter [tilespmem:s28], [sflag:$0x2], $0x80, $0x38;
	[tilespmem:$0x1D400] =	vst v63  }
0x104: {  	s20 =	sadd.s32 $0x1A100, s1;
	s18 =	sadd.s32 s15, s8  }
0x105: {  	[hbm4b:s18+s3] =	stream.linear.scatter [tilespmem:s20], [sflag:$0x2], $0x80, $0x38;
	[tilespmem:$0x1D400] =	vst v63  }
0x106: {  	s21 =	sadd.s32 $0x1A188, s1;
	s28 =	sadd.s32 $0x10, s18  }
0x107: {  	[hbm4b:s28+s3] =	stream.linear.scatter [tilespmem:s21], [sflag:$0x2], $0x80, $0x38;
	[tilespmem:$0x1D400] =	vst v63  }
0x108: {  	s21 =	sadd.s32 $0x1A210, s1;
	s28 =	sadd.s32 $0x20, s18  }
0x109: {  	[hbm4b:s28+s3] =	stream.linear.scatter [tilespmem:s21], [sflag:$0x2], $0x80, $0x38;
	[tilespmem:$0x1D400] =	vst v63  }
0x10a: {  	s21 =	sadd.s32 $0x1A298, s1;
	s28 =	sadd.s32 $0x30, s18  }
0x10b: {  	[hbm4b:s28+s3] =	stream.linear.scatter [tilespmem:s21], [sflag:$0x2], $0x80, $0x38;
	[tilespmem:$0x1D400] =	vst v63  }
0x10c: {  	s21 =	sadd.s32 $0x1A320, s1;
	s28 =	sadd.s32 $0x40, s18  }
0x10d: {  	[hbm4b:s28+s3] =	stream.linear.scatter [tilespmem:s21], [sflag:$0x2], $0x80, $0x38;
	[tilespmem:$0x1D400] =	vst v63  }
0x10e: {  	s21 =	sadd.s32 $0x1A3A8, s1;
	s28 =	sadd.s32 $0x50, s18  }
0x10f: {  	[hbm4b:s28+s3] =	stream.linear.scatter [tilespmem:s21], [sflag:$0x2], $0x80, $0x38;
	[tilespmem:$0x1D400] =	vst v63  }
0x110: {  	s20 =	sadd.s32 $0x1A430, s1;
	s21 =	sadd.s32 $0x60, s18  }
0x111: {  	[hbm4b:s21+s3] =	stream.linear.scatter [tilespmem:s20], [sflag:$0x2], $0x80, $0x38;
	[tilespmem:$0x1D400] =	vst v63  }
0x112: {  	s28 =	sadd.s32 $0x1A4B8, s1;
	s18 =	sadd.s32 $0x70, s18  }
0x113: {  	[hbm4b:s18+s3] =	stream.linear.scatter [tilespmem:s28], [sflag:$0x2], $0x80, $0x38;
	[tilespmem:$0x1D400] =	vst v63  }
0x114: {  	s20 =	sadd.s32 $0x19440, s1;
	s18 =	sadd.s32 s15, s9  }
0x115: {  	[hbm4b:s18+s3] =	stream.linear.scatter [tilespmem:s20], [sflag:$0x2], $0x80, $0x38;
	[tilespmem:$0x1D400] =	vst v63  }
0x116: {  	s21 =	sadd.s32 $0x194C8, s1;
	s28 =	sadd.s32 $0x10, s18  }
0x117: {  	[hbm4b:s28+s3] =	stream.linear.scatter [tilespmem:s21], [sflag:$0x2], $0x80, $0x38;
	[tilespmem:$0x1D400] =	vst v63  }
0x118: {  	s21 =	sadd.s32 $0x19550, s1;
	s28 =	sadd.s32 $0x20, s18  }
0x119: {  	[hbm4b:s28+s3] =	stream.linear.scatter [tilespmem:s21], [sflag:$0x2], $0x80, $0x38;
	[tilespmem:$0x1D400] =	vst v63  }
0x11a: {  	s21 =	sadd.s32 $0x195D8, s1;
	s28 =	sadd.s32 $0x30, s18  }
0x11b: {  	[hbm4b:s28+s3] =	stream.linear.scatter [tilespmem:s21], [sflag:$0x2], $0x80, $0x38;
	[tilespmem:$0x1D400] =	vst v63  }
0x11c: {  	s21 =	sadd.s32 $0x19660, s1;
	s28 =	sadd.s32 $0x40, s18  }
0x11d: {  	[hbm4b:s28+s3] =	stream.linear.scatter [tilespmem:s21], [sflag:$0x2], $0x80, $0x38;
	[tilespmem:$0x1D400] =	vst v63  }
0x11e: {  	s21 =	sadd.s32 $0x196E8, s1;
	s28 =	sadd.s32 $0x50, s18  }
0x11f: {  	[hbm4b:s28+s3] =	stream.linear.scatter [tilespmem:s21], [sflag:$0x2], $0x80, $0x38;
	[tilespmem:$0x1D400] =	vst v63  }
0x120: {  	s20 =	sadd.s32 $0x19770, s1;
	s21 =	sadd.s32 $0x60, s18  }
0x121: {  	[hbm4b:s21+s3] =	stream.linear.scatter [tilespmem:s20], [sflag:$0x2], $0x80, $0x38;
	[tilespmem:$0x1D400] =	vst v63  }
0x122: {  	s28 =	sadd.s32 $0x197F8, s1;
	s18 =	sadd.s32 $0x70, s18  }
0x123: {  	[hbm4b:s18+s3] =	stream.linear.scatter [tilespmem:s28], [sflag:$0x2], $0x80, $0x38;
	[tilespmem:$0x1D400] =	vst v63  }
0x124: {  	s20 =	sadd.s32 $0x1A540, s1;
	s18 =	sadd.s32 s15, s10  }
0x125: {  	[hbm4b:s18+s3] =	stream.linear.scatter [tilespmem:s20], [sflag:$0x2], $0x80, $0x38;
	[tilespmem:$0x1D400] =	vst v63  }
0x126: {  	s21 =	sadd.s32 $0x1A5C8, s1;
	s28 =	sadd.s32 $0x10, s18  }
0x127: {  	[hbm4b:s28+s3] =	stream.linear.scatter [tilespmem:s21], [sflag:$0x2], $0x80, $0x38;
	[tilespmem:$0x1D400] =	vst v63  }
0x128: {  	s21 =	sadd.s32 $0x1A650, s1;
	s28 =	sadd.s32 $0x20, s18  }
0x129: {  	[hbm4b:s28+s3] =	stream.linear.scatter [tilespmem:s21], [sflag:$0x2], $0x80, $0x38;
	[tilespmem:$0x1D400] =	vst v63  }
0x12a: {  	s21 =	sadd.s32 $0x1A6D8, s1;
	s28 =	sadd.s32 $0x30, s18  }
0x12b: {  	[hbm4b:s28+s3] =	stream.linear.scatter [tilespmem:s21], [sflag:$0x2], $0x80, $0x38;
	[tilespmem:$0x1D400] =	vst v63  }
0x12c: {  	s21 =	sadd.s32 $0x1A760, s1;
	s28 =	sadd.s32 $0x40, s18  }
0x12d: {  	[hbm4b:s28+s3] =	stream.linear.scatter [tilespmem:s21], [sflag:$0x2], $0x80, $0x38;
	[tilespmem:$0x1D400] =	vst v63  }
0x12e: {  	s21 =	sadd.s32 $0x1A7E8, s1;
	s28 =	sadd.s32 $0x50, s18  }
0x12f: {  	[hbm4b:s28+s3] =	stream.linear.scatter [tilespmem:s21], [sflag:$0x2], $0x80, $0x38;
	[tilespmem:$0x1D400] =	vst v63  }
0x130: {  	s20 =	sadd.s32 $0x1A870, s1;
	s21 =	sadd.s32 $0x60, s18  }
0x131: {  	[hbm4b:s21+s3] =	stream.linear.scatter [tilespmem:s20], [sflag:$0x2], $0x80, $0x38;
	[tilespmem:$0x1D400] =	vst v63  }
0x132: {  	s28 =	sadd.s32 $0x1A8F8, s1;
	s18 =	sadd.s32 $0x70, s18  }
0x133: {  	[hbm4b:s18+s3] =	stream.linear.scatter [tilespmem:s28], [sflag:$0x2], $0x80, $0x38;
	[tilespmem:$0x1D400] =	vst v63  }
0x134: {  	s20 =	sadd.s32 $0x19880, s1;
	s18 =	sadd.s32 s15, s11  }
0x135: {  	[hbm4b:s18+s3] =	stream.linear.scatter [tilespmem:s20], [sflag:$0x2], $0x80, $0x38;
	[tilespmem:$0x1D400] =	vst v63  }
0x136: {  	s21 =	sadd.s32 $0x19908, s1;
	s28 =	sadd.s32 $0x10, s18  }
0x137: {  	[hbm4b:s28+s3] =	stream.linear.scatter [tilespmem:s21], [sflag:$0x2], $0x80, $0x38;
	[tilespmem:$0x1D400] =	vst v63  }
0x138: {  	s21 =	sadd.s32 $0x19990, s1;
	s28 =	sadd.s32 $0x20, s18  }
0x139: {  	[hbm4b:s28+s3] =	stream.linear.scatter [tilespmem:s21], [sflag:$0x2], $0x80, $0x38;
	[tilespmem:$0x1D400] =	vst v63  }
0x13a: {  	s21 =	sadd.s32 $0x19A18, s1;
	s28 =	sadd.s32 $0x30, s18  }
0x13b: {  	[hbm4b:s28+s3] =	stream.linear.scatter [tilespmem:s21], [sflag:$0x2], $0x80, $0x38;
	[tilespmem:$0x1D400] =	vst v63  }
0x13c: {  	s21 =	sadd.s32 $0x19AA0, s1;
	s28 =	sadd.s32 $0x40, s18  }
0x13d: {  	[hbm4b:s28+s3] =	stream.linear.scatter [tilespmem:s21], [sflag:$0x2], $0x80, $0x38;
	[tilespmem:$0x1D400] =	vst v63  }
0x13e: {  	s21 =	sadd.s32 $0x19B28, s1;
	s28 =	sadd.s32 $0x50, s18  }
0x13f: {  	[hbm4b:s28+s3] =	stream.linear.scatter [tilespmem:s21], [sflag:$0x2], $0x80, $0x38;
	[tilespmem:$0x1D400] =	vst v63  }
0x140: {  	s20 =	sadd.s32 $0x19BB0, s1;
	s21 =	sadd.s32 $0x60, s18  }
0x141: {  	[hbm4b:s21+s3] =	stream.linear.scatter [tilespmem:s20], [sflag:$0x2], $0x80, $0x38;
	[tilespmem:$0x1D400] =	vst v63  }
0x142: {  	s28 =	sadd.s32 $0x19C38, s1;
	s18 =	sadd.s32 $0x70, s18  }
0x143: {  	[hbm4b:s18+s3] =	stream.linear.scatter [tilespmem:s28], [sflag:$0x2], $0x80, $0x38;
	[tilespmem:$0x1D400] =	vst v63  }
0x144: {  	s20 =	sadd.s32 $0x1A980, s1;
	s18 =	sadd.s32 s15, s12  }
0x145: {  	[hbm4b:s18+s3] =	stream.linear.scatter [tilespmem:s20], [sflag:$0x2], $0x80, $0x38;
	[tilespmem:$0x1D400] =	vst v63  }
0x146: {  	s21 =	sadd.s32 $0x1AA08, s1;
	s28 =	sadd.s32 $0x10, s18  }
0x147: {  	[hbm4b:s28+s3] =	stream.linear.scatter [tilespmem:s21], [sflag:$0x2], $0x80, $0x38;
	[tilespmem:$0x1D400] =	vst v63  }
0x148: {  	s21 =	sadd.s32 $0x1AA90, s1;
	s28 =	sadd.s32 $0x20, s18  }
0x149: {  	[hbm4b:s28+s3] =	stream.linear.scatter [tilespmem:s21], [sflag:$0x2], $0x80, $0x38;
	[tilespmem:$0x1D400] =	vst v63  }
0x14a: {  	s21 =	sadd.s32 $0x1AB18, s1;
	s28 =	sadd.s32 $0x30, s18  }
0x14b: {  	[hbm4b:s28+s3] =	stream.linear.scatter [tilespmem:s21], [sflag:$0x2], $0x80, $0x38;
	[tilespmem:$0x1D400] =	vst v63  }
0x14c: {  	s21 =	sadd.s32 $0x1ABA0, s1;
	s28 =	sadd.s32 $0x40, s18  }
0x14d: {  	[hbm4b:s28+s3] =	stream.linear.scatter [tilespmem:s21], [sflag:$0x2], $0x80, $0x38;
	[tilespmem:$0x1D400] =	vst v63  }
0x14e: {  	s21 =	sadd.s32 $0x1AC28, s1;
	s28 =	sadd.s32 $0x50, s18  }
0x14f: {  	[hbm4b:s28+s3] =	stream.linear.scatter [tilespmem:s21], [sflag:$0x2], $0x80, $0x38;
	[tilespmem:$0x1D400] =	vst v63  }
0x150: {  	s20 =	sadd.s32 $0x1ACB0, s1;
	s21 =	sadd.s32 $0x60, s18  }
0x151: {  	[hbm4b:s21+s3] =	stream.linear.scatter [tilespmem:s20], [sflag:$0x2], $0x80, $0x38;
	[tilespmem:$0x1D400] =	vst v63  }
0x152: {  	s28 =	sadd.s32 $0x1AD38, s1;
	s18 =	sadd.s32 $0x70, s18  }
0x153: {  	[hbm4b:s18+s3] =	stream.linear.scatter [tilespmem:s28], [sflag:$0x2], $0x80, $0x38;
	[tilespmem:$0x1D400] =	vst v63  }
0x154: {  	s20 =	sadd.s32 $0x19CC0, s1;
	s18 =	sadd.s32 s15, s13  }
0x155: {  	[hbm4b:s18+s3] =	stream.linear.scatter [tilespmem:s20], [sflag:$0x2], $0x80, $0x38;
	[tilespmem:$0x1D400] =	vst v63  }
0x156: {  	s21 =	sadd.s32 $0x19D48, s1;
	s28 =	sadd.s32 $0x10, s18  }
0x157: {  	[hbm4b:s28+s3] =	stream.linear.scatter [tilespmem:s21], [sflag:$0x2], $0x80, $0x38;
	[tilespmem:$0x1D400] =	vst v63  }
0x158: {  	s21 =	sadd.s32 $0x19DD0, s1;
	s28 =	sadd.s32 $0x20, s18  }
0x159: {  	[hbm4b:s28+s3] =	stream.linear.scatter [tilespmem:s21], [sflag:$0x2], $0x80, $0x38;
	[tilespmem:$0x1D400] =	vst v63  }
0x15a: {  	s21 =	sadd.s32 $0x19E58, s1;
	s28 =	sadd.s32 $0x30, s18  }
0x15b: {  	[hbm4b:s28+s3] =	stream.linear.scatter [tilespmem:s21], [sflag:$0x2], $0x80, $0x38;
	[tilespmem:$0x1D400] =	vst v63  }
0x15c: {  	s21 =	sadd.s32 $0x19EE0, s1;
	s28 =	sadd.s32 $0x40, s18  }
0x15d: {  	[hbm4b:s28+s3] =	stream.linear.scatter [tilespmem:s21], [sflag:$0x2], $0x80, $0x38;
	[tilespmem:$0x1D400] =	vst v63  }
0x15e: {  	s21 =	sadd.s32 $0x19F68, s1;
	s28 =	sadd.s32 $0x50, s18  }
0x15f: {  	[hbm4b:s28+s3] =	stream.linear.scatter [tilespmem:s21], [sflag:$0x2], $0x80, $0x38;
	[tilespmem:$0x1D400] =	vst v63  }
0x160: {  	s21 =	sadd.s32 $0x19FF0, s1;
	s28 =	sadd.s32 $0x60, s18  }
0x161: {  	[hbm4b:s28+s3] =	stream.linear.scatter [tilespmem:s21], [sflag:$0x2], $0x80, $0x38;
	[tilespmem:$0x1D400] =	vst v63  }
0x162: {  	s18 =	sadd.s32 $0x70, s18;
	s21 =	sadd.s32 $0x1A078, s1  }
0x163: {  	[hbm4b:s18+s3] =	stream.linear.scatter [tilespmem:s21], [sflag:$0x2], $0x80, $0x38;
	[tilespmem:$0x1D400] =	vst v63  }
0x164: {  	s15 =	sadd.s32 s15, s14;
	s28 =	sadd.s32 $0x1ADC0, s1  }
0x165: {  	[hbm4b:s15+s3] =	stream.linear.scatter [tilespmem:s28], [sflag:$0x2], $0x80, $0x38;
	[tilespmem:$0x1D400] =	vst v63  }
0x166: {  	s19 =	sadd.s32 $0x1AE48, s1;
	s20 =	sadd.s32 $0x10, s15  }
0x167: {  	[hbm4b:s20+s3] =	stream.linear.scatter [tilespmem:s19], [sflag:$0x2], $0x80, $0x38;
	[tilespmem:$0x1D400] =	vst v63  }
0x168: {  	s21 =	sadd.s32 $0x1AED0, s1;
	s28 =	sadd.s32 $0x20, s15  }
0x169: {  	[hbm4b:s28+s3] =	stream.linear.scatter [tilespmem:s21], [sflag:$0x2], $0x80, $0x38;
	[tilespmem:$0x1D400] =	vst v63  }
0x16a: {  	s19 =	sadd.s32 $0x1AF58, s1;
	s20 =	sadd.s32 $0x30, s15  }
0x16b: {  	[hbm4b:s20+s3] =	stream.linear.scatter [tilespmem:s19], [sflag:$0x2], $0x80, $0x38;
	[tilespmem:$0x1D400] =	vst v63  }
0x16c: {  	s30 =	sadd.s32 $0x1, s30;
	s21 =	sadd.s32 $0x1AFE0, s1;
	s28 =	sadd.s32 $0x40, s15  }
0x16d: {  	[hbm4b:s28+s3] =	stream.linear.scatter [tilespmem:s21], [sflag:$0x2], $0x80, $0x38;
	[tilespmem:$0x1D400] =	vst v63  }
0x16e: {  	p0 =	sne.s32 s30, $0x10;
	s19 =	sadd.s32 $0x1B068, s1;
	s20 =	sadd.s32 $0x50, s15  }
0x16f: {  	[hbm4b:s20+s3] =	stream.linear.scatter [tilespmem:s19], [sflag:$0x2], $0x80, $0x38;
	[tilespmem:$0x1D400] =	vst v63  }
.Ltmp1:
0x170: {  	_ = 	snop;
	(pc) =	sbr.rel @p0 .LBB2_3-.Ltmp1, $4  }
0x171: {  	s21 =	sadd.s32 $0x1B0F0, s1;
	s28 =	sadd.s32 $0x60, s15  }
0x172: {  	[hbm4b:s28+s3] =	stream.linear.scatter [tilespmem:s21], [sflag:$0x2], $0x80, $0x38;
	[tilespmem:$0x1D400] =	vst v63  }
0x173: {  	s0 =	sadd.s32 $0x8000, s0;
	v43 =	vld [tilespmem:$0x1FFF0];
	s1 =	sadd.s32 $0x1B178, s1;
	s15 =	sadd.s32 $0x70, s15  }
0x174: {  	v20 =	vld [tilespmem:$0x1FFE0];
	[hbm4b:s15+s3] =	stream.linear.scatter [tilespmem:s1], [sflag:$0x2], $0x80, $0x38  }
0x175: {  	s29 =	sadd.s32 $0x1, s29  }
0x176: {  	_ =	swait.ge [sflag:s25], $0x2000;
	p0 =	sne.s32 s29, s7  }
.Ltmp2:
0x177: {  	[sflag:s25] =	ssyncset.done $0x0;
	(pc) =	sbr.rel @p0 .LBB2_2-.Ltmp2, $4  }
0x178: {  	[sflag:s25] =	ssyncadd.s32 $0xFFFFE000  }
0x179: {  	_ =	swait.ge [sflag:s25], $0x2000  }
0x17a: {  	[sflag:s25] =	ssyncset.done $0x0  }
0x17b: {  	[sflag:s25] =	ssyncadd.s32 $0xFFFFE000  }
0x17c: {  	s1 =	rddreg [dreg:$0x4]  }
0x17d: {  	s0 =	rddreg [dreg:$0x3];
	s1 =	sadd.s32 $0x1, s1  }
0x17e: {  	p0 =	sne.s32 s1, s0  }
.Ltmp3:
0x17f: {  	_ = 	snop;
	(pc) =	sbr.rel @p0 .LBB2_1-.Ltmp3, $1  }
0x180: {  	_ =	sdelay $0x3  }
0x181: {  	_ =	sfence.sel $0x180000  }
0x182: {  	[bflag:$0x0] =	sbarrier.arrive $0xFFFF  }
0x183: {  	_ =	strace $0x90000047  }
0x184: {  	s0 =	stileid.u32;
	[bflag:$0x2] =	sbarrier.arrive $0xFFFF  }
0x185: {  	p0 =	sne.s32 s0, $0x0;
	s0 =	rddreg [dreg:$0x2]  }
0x186: {  	s0 =	sadd.s32 @!p0 $0x100000, s0  }
0x187: {  	[sflag:s0] =	ssyncadd.tile.s32 @!p0 $0x1;
	_ =	shalt  }
.Lfunc_end2:
_tile_overlayer_lowered:
.L_overlay_start_2:
0x188: {  	(tag) =	ssettag $0x2  }
0x189: {  	s0 =	rddreg [dreg:$0x0];
	s2 =	stileid.u32  }
0x18a: {  	s1 =	rddreg [dreg:$0x1];
	p0 =	sne.s32 s2, $0x0  }
0x18b: {  	s3 =	rddreg [dreg:$0x2];
	[bflag:$0x3] =	sbarrier.arrive $0xFFFF;
	s2 =	simm.s32 @!p0 $0x1C03  }
0x18c: {  	[timem:s3], [sflag:s2] =	dma.local @!p0 [hbm:s0], s1  }
0x18d: {  	s0 =	simm.s32 @!p0 $0x3  }
0x18e: {  	_ =	swait.ge @!p0 [sflag:s0], s1  }
0x18f: {  	s1 =	ssub.s32 @!p0 $0x0, s1;
	[sflag:s0] =	ssyncset.done @!p0 $0x0  }
0x190: {  	[sflag:s0] =	ssyncadd.s32 @!p0 s1  }
0x191: {  	[bflag:$0x3] =	sbarrier.arrive $0xFFFF  }
0x192: {  	_ =	shalt  }

</sc_bundles>
